<compile_context>
chip_gen: v7x
topology: tpu7x:2x2x1
jax: 0.10.2.dev20260603
libtpu: 0.0.44.dev20260713+nightly
codegen_flags: <defaults>
</compile_context>

<pallas_src>
import jax
import jax.numpy as jnp
from jax import lax
from jax.experimental import pallas as pl
from jax.experimental.pallas import tpu as pltpu
from jax.experimental.pallas import tpu_sc as plsc

NUM_CORES = 2
NUM_SUBCORES = 16
NUM_WORKERS = NUM_CORES * NUM_SUBCORES
WIN = 128
NBUF = 2
IBUF = 4
LANES = 16


def _round_up(v, m):
    return (v + m - 1) // m * m


def _sc_aggregate(x, row2d, col2d, n_pad, nwin):
    d = x.shape[1]
    nw = nwin // NUM_WORKERS
    assert nw % IBUF == 0 and nw >= 2 * IBUF
    zrows = n_pad // NUM_SUBCORES
    assert zrows % WIN == 0
    mesh = plsc.VectorSubcoreMesh(core_axis_name="c", subcore_axis_name="s")

    def body(x_hbm, row_hbm, col_hbm, out_hbm,
             cidx, ridx, rows0, rows1, acc,
             is0, is1, is2, is3, gs0, gs1):
        bufs = (rows0, rows1)
        gsems = (gs0, gs1)
        isems = (is0, is1, is2, is3)
        c = lax.axis_index("c")
        s = lax.axis_index("s")
        base = (s * NUM_CORES + c) * nw

        def idx_issue(u, k):
            pltpu.async_copy(row_hbm.at[base + u], ridx.at[k], isems[k])
            pltpu.async_copy(col_hbm.at[base + u], cidx.at[k], isems[k])

        def idx_wait(k):
            pltpu.make_async_copy(row_hbm.at[0], ridx.at[k], isems[k]).wait()
            pltpu.make_async_copy(col_hbm.at[0], cidx.at[k], isems[k]).wait()

        def gather_issue(u, k, b):
            idx_wait(k)
            pltpu.async_copy(x_hbm.at[cidx.at[k]], bufs[b], gsems[b])

        def gather_wait(k, b):
            pltpu.make_async_copy(x_hbm.at[cidx.at[k]],
                                  bufs[b], gsems[b]).wait()

        @pl.loop(0, WIN)
        def _(r):
            @pl.loop(0, d // LANES)
            def _(k):
                rows0[r, pl.ds(k * LANES, LANES)] = jnp.zeros(
                    (LANES,), jnp.float32)

        @pl.loop(0, zrows // WIN)
        def _(b):
            pltpu.sync_copy(rows0,
                            acc.at[pl.ds(s * zrows + b * WIN, WIN)])

        plsc.subcore_barrier()

        def window(u, k, b, issue_idx, issue_gather):
            gather_wait(k, b)
            pltpu.sync_copy(bufs[b], acc.at[ridx.at[k]], add=True)
            if issue_idx:
                idx_issue(u + IBUF, k)
            if issue_gather:
                gather_issue(u + NBUF, (k + NBUF) % IBUF, b)

        for k in range(IBUF):
            idx_issue(k, k)
        gather_issue(0, 0, 0)
        gather_issue(1, 1, 1)

        @pl.loop(0, nw - 2 * IBUF, step=IBUF)
        def _(t):
            for k in range(IBUF):
                window(t + k, k, k % NBUF, True, True)

        t0 = nw - 2 * IBUF
        for k in range(IBUF):
            window(t0 + k, k, k % NBUF, True, True)
        for k in range(IBUF):
            window(t0 + IBUF + k, k, k % NBUF, False, k < IBUF - NBUF)

        plsc.subcore_barrier()
        pltpu.sync_copy(acc.at[pl.ds(s * zrows, zrows)],
                        out_hbm.at[c, pl.ds(s * zrows, zrows)])

    kern = pl.kernel(
        body,
        out_type=jax.ShapeDtypeStruct((NUM_CORES, n_pad, d), jnp.float32),
        mesh=mesh,
        scratch_types=[
            pltpu.VMEM((IBUF, WIN), jnp.int32),
            pltpu.VMEM((IBUF, WIN), jnp.int32),
            pltpu.VMEM((WIN, d), jnp.float32),
            pltpu.VMEM((WIN, d), jnp.float32),
            pltpu.VMEM_SHARED((n_pad, d), jnp.float32),
            pltpu.SemaphoreType.DMA,
            pltpu.SemaphoreType.DMA,
            pltpu.SemaphoreType.DMA,
            pltpu.SemaphoreType.DMA,
            pltpu.SemaphoreType.DMA,
            pltpu.SemaphoreType.DMA,
        ],
    )
    return kern(x, row2d, col2d)


def _tc_combine(p, x, w_mat):
    n, d = x.shape
    br = 1000
    assert n % br == 0

    def body(p0_ref, p1_ref, x_ref, w_ref, o_ref):
        agg = p0_ref[0] + p1_ref[0] + x_ref[...]
        o_ref[...] = jnp.dot(agg, w_ref[...],
                             preferred_element_type=jnp.float32)

    return pl.pallas_call(
        body,
        grid=(n // br,),
        in_specs=[
            pl.BlockSpec((1, br, d), lambda i: (0, i, 0)),
            pl.BlockSpec((1, br, d), lambda i: (1, i, 0)),
            pl.BlockSpec((br, d), lambda i: (i, 0)),
            pl.BlockSpec((d, d), lambda i: (0, 0)),
        ],
        out_specs=pl.BlockSpec((br, d), lambda i: (i, 0)),
        out_shape=jax.ShapeDtypeStruct((n, d), jnp.float32),
    )(p, p, x, w_mat)


@jax.jit
def kernel(x, edge_index, W):
    n, d = x.shape
    e = edge_index.shape[1]
    e_pad = _round_up(e, NUM_WORKERS * WIN * IBUF)
    nwin = e_pad // WIN
    n_pad = _round_up(n + WIN, NUM_SUBCORES * WIN)

    pad = e_pad - e
    ar = jnp.arange(pad, dtype=edge_index.dtype)
    row = jnp.concatenate([edge_index[0], n + ar % WIN])
    col = jnp.concatenate([edge_index[1], ar % n])

    p = _sc_aggregate(x, row.reshape(-1, WIN), col.reshape(-1, WIN),
                      n_pad, nwin)
    return _tc_combine(p, x, W)

# --- scband reference (transcript-rebuilt; emitter-appended) ---
"""Pipeline reference for scband-gcnconv-60430189855414 (READ-ONLY COPY).

The authoritative reference and input builder live on the scoring server;
editing this copy changes nothing except your own understanding.
"""

import jax, jax.numpy as jnp
import numpy as np

N_NODES = 10000
N_EDGES = 320000
D_IN = 128
D_OUT = 128


def setup_inputs(seed: int = 0) -> dict:
    key = jax.random.key(seed)
    kx, ke, kw = jax.random.split(key, 3)
    x = jax.random.normal(kx, (N_NODES, D_IN), dtype=jnp.float32)
    edge_index = jax.random.randint(ke, (2, N_EDGES), 0, N_NODES)
    stdv = 1.0 / np.sqrt(D_OUT)
    W = jax.random.uniform(kw, (D_IN, D_OUT), dtype=jnp.float32, minval=-stdv, maxval=stdv)
    return {"x": x, "edge_index": edge_index, "W": W}


def reference(x, edge_index, W):
    num_nodes = x.shape[0]
    # loop=True: append self-loops
    loop_index = jnp.arange(num_nodes, dtype=edge_index.dtype)
    loop_index = jnp.stack([loop_index, loop_index], axis=0)
    ei = jnp.concatenate([edge_index, loop_index], axis=1)
    # support = x @ W
    support = jnp.dot(x, W)
    # spmm with adj = sparse COO(values=1): out[row] += support[col]
    row = ei[0]
    col = ei[1]
    gathered = jnp.take(support, col, axis=0)
    output = jax.ops.segment_sum(gathered, row, num_segments=num_nodes)
    return output

if __name__ == "__main__":
    import jax
    _d = setup_inputs()
    print(jax.jit(kernel)(*tuple(_d.values())))

</pallas_src>

<mosaic_0001>
#map = affine_map<(d0, d1) -> (0, 0)>
#map1 = affine_map<(d0, d1) -> (0, 0, 0)>
module attributes {stable_mosaic.version = 14 : i64} {
  func.func @body(%arg0: i32, %arg1: i32, %arg2: memref<10000x128xf32, #tpu.memory_space<hbm>>, %arg3: memref<2560x128xi32, #tpu.memory_space<hbm>>, %arg4: memref<2560x128xi32, #tpu.memory_space<hbm>>, %arg5: memref<2x10240x128xf32, #tpu.memory_space<hbm>>, %arg6: memref<4x128xi32, #tpu.memory_space<vmem>>, %arg7: memref<4x128xi32, #tpu.memory_space<vmem>>, %arg8: memref<128x128xf32, #tpu.memory_space<vmem>>, %arg9: memref<128x128xf32, #tpu.memory_space<vmem>>, %arg10: memref<10240x128xf32, #tpu.memory_space<vmem_shared>>, %arg11: memref<!tpu.dma_semaphore, #tpu.memory_space<semaphore_mem>>, %arg12: memref<!tpu.dma_semaphore, #tpu.memory_space<semaphore_mem>>, %arg13: memref<!tpu.dma_semaphore, #tpu.memory_space<semaphore_mem>>, %arg14: memref<!tpu.dma_semaphore, #tpu.memory_space<semaphore_mem>>, %arg15: memref<!tpu.dma_semaphore, #tpu.memory_space<semaphore_mem>>, %arg16: memref<!tpu.dma_semaphore, #tpu.memory_space<semaphore_mem>>) attributes {dimension_semantics = [#tpu.dimension_semantics<core_parallel>, #tpu.dimension_semantics<subcore_parallel>], iteration_bounds = array<i64: 2, 16>, scalar_prefetch = 0 : i64, scratch_operands = 11 : i64, tpu.core_type = #tpu.core_type<sc_vector_subcore>, window_params = [{transform_indices = #map}, {transform_indices = #map}, {transform_indices = #map}, {transform_indices = #map1}]} {
    %mul3A = arith.constant 2 : i32
    %mul3A_0 = arith.muli %arg1, %mul3A : i32
    %add3A = arith.addi %mul3A_0, %arg0 : i32
    %mul3A_1 = arith.constant 80 : i32
    %mul3A_2 = arith.muli %add3A, %mul3A_1 : i32
    %scan3A = arith.constant 0 : i32
    %scan3A_3 = arith.constant 128 : i32
    %scan3A_4 = arith.addi %scan3A, %scan3A_3 : i32
    %scan3A_5 = arith.constant 1 : i32
    scf.for %scan3A_603 = %scan3A to %scan3A_4 step %scan3A_5  : i32 {
      %mul3A_604 = arith.constant 1 : i32
      %mul3A_605 = arith.muli %scan3A_603, %mul3A_604 : i32
      %add3A_606 = arith.constant 0 : i32
      %add3A_607 = arith.addi %add3A_606, %mul3A_605 : i32
      %scan3A_608 = arith.constant 0 : i32
      %scan3A_609 = arith.constant 8 : i32
      %scan3A_610 = arith.addi %scan3A_608, %scan3A_609 : i32
      %scan3A_611 = arith.constant 1 : i32
      scf.for %scan3A_613 = %scan3A_608 to %scan3A_610 step %scan3A_611  : i32 {
        %mul3A_614 = arith.constant 1 : i32
        %mul3A_615 = arith.muli %scan3A_613, %mul3A_614 : i32
        %add3A_616 = arith.constant 0 : i32
        %add3A_617 = arith.addi %add3A_616, %mul3A_615 : i32
        %broadcast_in_dim3A = arith.constant 0.000000e+00 : f32
        %broadcast_in_dim3A_618 = vector.broadcast %broadcast_in_dim3A : f32 to vector<16xf32>
        %mul3A_619 = arith.constant 16 : i32
        %mul3A_620 = arith.muli %add3A_617, %mul3A_619 : i32
        %swap3A = arith.index_cast %add3A_607 : i32 to index
        %swap3A_621 = arith.index_cast %mul3A_620 : i32 to index
        %swap3A_622 = tpu.vector_load %arg8[%swap3A, %swap3A_621] {strides = array<i32>} : memref<128x128xf32, #tpu.memory_space<vmem>>, vector<1x16xf32>,
        %swap3A_623 = vector.shape_cast %swap3A_622 : vector<1x16xf32> to vector<16xf32>
        %swap3A_624 = vector.shape_cast %broadcast_in_dim3A_618 : vector<16xf32> to vector<1x16xf32>
        tpu.vector_store %arg8[%swap3A, %swap3A_621], %swap3A_624 {strides = array<i32>} : memref<128x128xf32, #tpu.memory_space<vmem>>, vector<1x16xf32>,
      }
      %scan3A_612 = arith.constant 8 : i32
    }
    %scan3A_6 = arith.constant 128 : i32
    %scan3A_7 = arith.constant 0 : i32
    %scan3A_8 = arith.constant 5 : i32
    %scan3A_9 = arith.addi %scan3A_7, %scan3A_8 : i32
    %scan3A_10 = arith.constant 1 : i32
    scf.for %scan3A_603 = %scan3A_7 to %scan3A_9 step %scan3A_10  : i32 {
      %mul3A_604 = arith.constant 1 : i32
      %mul3A_605 = arith.muli %scan3A_603, %mul3A_604 : i32
      %add3A_606 = arith.constant 0 : i32
      %add3A_607 = arith.addi %add3A_606, %mul3A_605 : i32
      %mul3A_608 = arith.constant 640 : i32
      %mul3A_609 = arith.muli %arg1, %mul3A_608 : i32
      %mul3A_610 = arith.constant 128 : i32
      %mul3A_611 = arith.muli %add3A_607, %mul3A_610 : i32
      %add3A_612 = arith.addi %mul3A_609, %mul3A_611 : i32
      "tpu.region"() ({
        %run_scoped3A_613 = tpu.sem_alloc : memref<!tpu.dma_semaphore, #tpu.memory_space<semaphore_mem>>
        %dma_start3A_614 = arith.constant 0 : i32
        %dma_start3A_615 = tpu.memref_slice %arg10[%add3A_612, %dma_start3A_614] : memref<10240x128xf32, #tpu.memory_space<vmem_shared>> -> memref<128x128xf32, #tpu.memory_space<vmem_shared>>
        %dma_start3A_616 = arith.constant 0 : i32
        %dma_start3A_617 = tpu.memref_slice %arg10[%add3A_612, %dma_start3A_616] : memref<10240x128xf32, #tpu.memory_space<vmem_shared>> -> memref<128x128xf32, #tpu.memory_space<vmem_shared>>
        tpu.enqueue_dma source(%arg8 : memref<128x128xf32, #tpu.memory_space<vmem>>) target(%dma_start3A_617 : memref<128x128xf32, #tpu.memory_space<vmem_shared>>) target_semaphore(%run_scoped3A_613 : memref<!tpu.dma_semaphore, #tpu.memory_space<semaphore_mem>>)
        %dma_wait3A_618 = arith.constant 0 : i32
        %dma_wait3A_619 = tpu.memref_slice %arg10[%add3A_612, %dma_wait3A_618] : memref<10240x128xf32, #tpu.memory_space<vmem_shared>> -> memref<128x128xf32, #tpu.memory_space<vmem_shared>>
        %dma_wait3A_620 = arith.constant 0 : i32
        %dma_wait3A_621 = tpu.memref_slice %arg10[%add3A_612, %dma_wait3A_620] : memref<10240x128xf32, #tpu.memory_space<vmem_shared>> -> memref<128x128xf32, #tpu.memory_space<vmem_shared>>
        tpu.wait_dma2 semaphore(%run_scoped3A_613 : memref<!tpu.dma_semaphore, #tpu.memory_space<semaphore_mem>>) src(%arg8 : memref<128x128xf32, #tpu.memory_space<vmem>>) dst(%dma_wait3A_621 : memref<128x128xf32, #tpu.memory_space<vmem_shared>>)
        tpu.yield
      }) : () -> ()
    }
    %scan3A_11 = arith.constant 5 : i32
    %barrier3A = arith.constant 0 : index
    tpu.barrier barrier_id(%barrier3A)
    %add3A_12 = arith.constant 0 : i32
    %add3A_13 = arith.addi %mul3A_2, %add3A_12 : i32
    %dma_start3A = arith.constant 0 : i32
    %dma_start3A_14 = arith.constant 0 : i32
    %dma_start3A_15 = tpu.memref_slice %arg7[%dma_start3A, %dma_start3A_14] : memref<4x128xi32, #tpu.memory_space<vmem>> -> memref<1x128xi32, #tpu.memory_space<vmem>>
    %dma_start3A_16 = tpu.memref_squeeze %dma_start3A_15 : memref<1x128xi32, #tpu.memory_space<vmem>> -> memref<128xi32, #tpu.memory_space<vmem>>
    %dma_start3A_17 = arith.constant 0 : i32
    %dma_start3A_18 = tpu.memref_slice %arg3[%add3A_13, %dma_start3A_17] : memref<2560x128xi32, #tpu.memory_space<hbm>> -> memref<1x128xi32, #tpu.memory_space<hbm>>
    %dma_start3A_19 = tpu.memref_squeeze %dma_start3A_18 : memref<1x128xi32, #tpu.memory_space<hbm>> -> memref<128xi32, #tpu.memory_space<hbm>>
    %dma_start3A_20 = arith.constant 0 : i32
    %dma_start3A_21 = tpu.memref_slice %arg7[%dma_start3A, %dma_start3A_20] : memref<4x128xi32, #tpu.memory_space<vmem>> -> memref<1x128xi32, #tpu.memory_space<vmem>>
    %dma_start3A_22 = tpu.memref_squeeze %dma_start3A_21 : memref<1x128xi32, #tpu.memory_space<vmem>> -> memref<128xi32, #tpu.memory_space<vmem>>
    %dma_start3A_23 = arith.constant 0 : i32
    %dma_start3A_24 = tpu.memref_slice %arg3[%add3A_13, %dma_start3A_23] : memref<2560x128xi32, #tpu.memory_space<hbm>> -> memref<1x128xi32, #tpu.memory_space<hbm>>
    %dma_start3A_25 = tpu.memref_squeeze %dma_start3A_24 : memref<1x128xi32, #tpu.memory_space<hbm>> -> memref<128xi32, #tpu.memory_space<hbm>>
    tpu.enqueue_dma source(%dma_start3A_25 : memref<128xi32, #tpu.memory_space<hbm>>) target(%dma_start3A_22 : memref<128xi32, #tpu.memory_space<vmem>>) target_semaphore(%arg11 : memref<!tpu.dma_semaphore, #tpu.memory_space<semaphore_mem>>)
    %add3A_26 = arith.constant 0 : i32
    %add3A_27 = arith.addi %mul3A_2, %add3A_26 : i32
    %dma_start3A_28 = arith.constant 0 : i32
    %dma_start3A_29 = arith.constant 0 : i32
    %dma_start3A_30 = tpu.memref_slice %arg6[%dma_start3A_28, %dma_start3A_29] : memref<4x128xi32, #tpu.memory_space<vmem>> -> memref<1x128xi32, #tpu.memory_space<vmem>>
    %dma_start3A_31 = tpu.memref_squeeze %dma_start3A_30 : memref<1x128xi32, #tpu.memory_space<vmem>> -> memref<128xi32, #tpu.memory_space<vmem>>
    %dma_start3A_32 = arith.constant 0 : i32
    %dma_start3A_33 = tpu.memref_slice %arg4[%add3A_27, %dma_start3A_32] : memref<2560x128xi32, #tpu.memory_space<hbm>> -> memref<1x128xi32, #tpu.memory_space<hbm>>
    %dma_start3A_34 = tpu.memref_squeeze %dma_start3A_33 : memref<1x128xi32, #tpu.memory_space<hbm>> -> memref<128xi32, #tpu.memory_space<hbm>>
    %dma_start3A_35 = arith.constant 0 : i32
    %dma_start3A_36 = tpu.memref_slice %arg6[%dma_start3A_28, %dma_start3A_35] : memref<4x128xi32, #tpu.memory_space<vmem>> -> memref<1x128xi32, #tpu.memory_space<vmem>>
    %dma_start3A_37 = tpu.memref_squeeze %dma_start3A_36 : memref<1x128xi32, #tpu.memory_space<vmem>> -> memref<128xi32, #tpu.memory_space<vmem>>
    %dma_start3A_38 = arith.constant 0 : i32
    %dma_start3A_39 = tpu.memref_slice %arg4[%add3A_27, %dma_start3A_38] : memref<2560x128xi32, #tpu.memory_space<hbm>> -> memref<1x128xi32, #tpu.memory_space<hbm>>
    %dma_start3A_40 = tpu.memref_squeeze %dma_start3A_39 : memref<1x128xi32, #tpu.memory_space<hbm>> -> memref<128xi32, #tpu.memory_space<hbm>>
    tpu.enqueue_dma source(%dma_start3A_40 : memref<128xi32, #tpu.memory_space<hbm>>) target(%dma_start3A_37 : memref<128xi32, #tpu.memory_space<vmem>>) target_semaphore(%arg11 : memref<!tpu.dma_semaphore, #tpu.memory_space<semaphore_mem>>)
    %add3A_41 = arith.constant 1 : i32
    %add3A_42 = arith.addi %mul3A_2, %add3A_41 : i32
    %dma_start3A_43 = arith.constant 1 : i32
    %dma_start3A_44 = arith.constant 0 : i32
    %dma_start3A_45 = tpu.memref_slice %arg7[%dma_start3A_43, %dma_start3A_44] : memref<4x128xi32, #tpu.memory_space<vmem>> -> memref<1x128xi32, #tpu.memory_space<vmem>>
    %dma_start3A_46 = tpu.memref_squeeze %dma_start3A_45 : memref<1x128xi32, #tpu.memory_space<vmem>> -> memref<128xi32, #tpu.memory_space<vmem>>
    %dma_start3A_47 = arith.constant 0 : i32
    %dma_start3A_48 = tpu.memref_slice %arg3[%add3A_42, %dma_start3A_47] : memref<2560x128xi32, #tpu.memory_space<hbm>> -> memref<1x128xi32, #tpu.memory_space<hbm>>
    %dma_start3A_49 = tpu.memref_squeeze %dma_start3A_48 : memref<1x128xi32, #tpu.memory_space<hbm>> -> memref<128xi32, #tpu.memory_space<hbm>>
    %dma_start3A_50 = arith.constant 0 : i32
    %dma_start3A_51 = tpu.memref_slice %arg7[%dma_start3A_43, %dma_start3A_50] : memref<4x128xi32, #tpu.memory_space<vmem>> -> memref<1x128xi32, #tpu.memory_space<vmem>>
    %dma_start3A_52 = tpu.memref_squeeze %dma_start3A_51 : memref<1x128xi32, #tpu.memory_space<vmem>> -> memref<128xi32, #tpu.memory_space<vmem>>
    %dma_start3A_53 = arith.constant 0 : i32
    %dma_start3A_54 = tpu.memref_slice %arg3[%add3A_42, %dma_start3A_53] : memref<2560x128xi32, #tpu.memory_space<hbm>> -> memref<1x128xi32, #tpu.memory_space<hbm>>
    %dma_start3A_55 = tpu.memref_squeeze %dma_start3A_54 : memref<1x128xi32, #tpu.memory_space<hbm>> -> memref<128xi32, #tpu.memory_space<hbm>>
    tpu.enqueue_dma source(%dma_start3A_55 : memref<128xi32, #tpu.memory_space<hbm>>) target(%dma_start3A_52 : memref<128xi32, #tpu.memory_space<vmem>>) target_semaphore(%arg12 : memref<!tpu.dma_semaphore, #tpu.memory_space<semaphore_mem>>)
    %add3A_56 = arith.constant 1 : i32
    %add3A_57 = arith.addi %mul3A_2, %add3A_56 : i32
    %dma_start3A_58 = arith.constant 1 : i32
    %dma_start3A_59 = arith.constant 0 : i32
    %dma_start3A_60 = tpu.memref_slice %arg6[%dma_start3A_58, %dma_start3A_59] : memref<4x128xi32, #tpu.memory_space<vmem>> -> memref<1x128xi32, #tpu.memory_space<vmem>>
    %dma_start3A_61 = tpu.memref_squeeze %dma_start3A_60 : memref<1x128xi32, #tpu.memory_space<vmem>> -> memref<128xi32, #tpu.memory_space<vmem>>
    %dma_start3A_62 = arith.constant 0 : i32
    %dma_start3A_63 = tpu.memref_slice %arg4[%add3A_57, %dma_start3A_62] : memref<2560x128xi32, #tpu.memory_space<hbm>> -> memref<1x128xi32, #tpu.memory_space<hbm>>
    %dma_start3A_64 = tpu.memref_squeeze %dma_start3A_63 : memref<1x128xi32, #tpu.memory_space<hbm>> -> memref<128xi32, #tpu.memory_space<hbm>>
    %dma_start3A_65 = arith.constant 0 : i32
    %dma_start3A_66 = tpu.memref_slice %arg6[%dma_start3A_58, %dma_start3A_65] : memref<4x128xi32, #tpu.memory_space<vmem>> -> memref<1x128xi32, #tpu.memory_space<vmem>>
    %dma_start3A_67 = tpu.memref_squeeze %dma_start3A_66 : memref<1x128xi32, #tpu.memory_space<vmem>> -> memref<128xi32, #tpu.memory_space<vmem>>
    %dma_start3A_68 = arith.constant 0 : i32
    %dma_start3A_69 = tpu.memref_slice %arg4[%add3A_57, %dma_start3A_68] : memref<2560x128xi32, #tpu.memory_space<hbm>> -> memref<1x128xi32, #tpu.memory_space<hbm>>
    %dma_start3A_70 = tpu.memref_squeeze %dma_start3A_69 : memref<1x128xi32, #tpu.memory_space<hbm>> -> memref<128xi32, #tpu.memory_space<hbm>>
    tpu.enqueue_dma source(%dma_start3A_70 : memref<128xi32, #tpu.memory_space<hbm>>) target(%dma_start3A_67 : memref<128xi32, #tpu.memory_space<vmem>>) target_semaphore(%arg12 : memref<!tpu.dma_semaphore, #tpu.memory_space<semaphore_mem>>)
    %add3A_71 = arith.constant 2 : i32
    %add3A_72 = arith.addi %mul3A_2, %add3A_71 : i32
    %dma_start3A_73 = arith.constant 2 : i32
    %dma_start3A_74 = arith.constant 0 : i32
    %dma_start3A_75 = tpu.memref_slice %arg7[%dma_start3A_73, %dma_start3A_74] : memref<4x128xi32, #tpu.memory_space<vmem>> -> memref<1x128xi32, #tpu.memory_space<vmem>>
    %dma_start3A_76 = tpu.memref_squeeze %dma_start3A_75 : memref<1x128xi32, #tpu.memory_space<vmem>> -> memref<128xi32, #tpu.memory_space<vmem>>
    %dma_start3A_77 = arith.constant 0 : i32
    %dma_start3A_78 = tpu.memref_slice %arg3[%add3A_72, %dma_start3A_77] : memref<2560x128xi32, #tpu.memory_space<hbm>> -> memref<1x128xi32, #tpu.memory_space<hbm>>
    %dma_start3A_79 = tpu.memref_squeeze %dma_start3A_78 : memref<1x128xi32, #tpu.memory_space<hbm>> -> memref<128xi32, #tpu.memory_space<hbm>>
    %dma_start3A_80 = arith.constant 0 : i32
    %dma_start3A_81 = tpu.memref_slice %arg7[%dma_start3A_73, %dma_start3A_80] : memref<4x128xi32, #tpu.memory_space<vmem>> -> memref<1x128xi32, #tpu.memory_space<vmem>>
    %dma_start3A_82 = tpu.memref_squeeze %dma_start3A_81 : memref<1x128xi32, #tpu.memory_space<vmem>> -> memref<128xi32, #tpu.memory_space<vmem>>
    %dma_start3A_83 = arith.constant 0 : i32
    %dma_start3A_84 = tpu.memref_slice %arg3[%add3A_72, %dma_start3A_83] : memref<2560x128xi32, #tpu.memory_space<hbm>> -> memref<1x128xi32, #tpu.memory_space<hbm>>
    %dma_start3A_85 = tpu.memref_squeeze %dma_start3A_84 : memref<1x128xi32, #tpu.memory_space<hbm>> -> memref<128xi32, #tpu.memory_space<hbm>>
    tpu.enqueue_dma source(%dma_start3A_85 : memref<128xi32, #tpu.memory_space<hbm>>) target(%dma_start3A_82 : memref<128xi32, #tpu.memory_space<vmem>>) target_semaphore(%arg13 : memref<!tpu.dma_semaphore, #tpu.memory_space<semaphore_mem>>)
    %add3A_86 = arith.constant 2 : i32
    %add3A_87 = arith.addi %mul3A_2, %add3A_86 : i32
    %dma_start3A_88 = arith.constant 2 : i32
    %dma_start3A_89 = arith.constant 0 : i32
    %dma_start3A_90 = tpu.memref_slice %arg6[%dma_start3A_88, %dma_start3A_89] : memref<4x128xi32, #tpu.memory_space<vmem>> -> memref<1x128xi32, #tpu.memory_space<vmem>>
    %dma_start3A_91 = tpu.memref_squeeze %dma_start3A_90 : memref<1x128xi32, #tpu.memory_space<vmem>> -> memref<128xi32, #tpu.memory_space<vmem>>
    %dma_start3A_92 = arith.constant 0 : i32
    %dma_start3A_93 = tpu.memref_slice %arg4[%add3A_87, %dma_start3A_92] : memref<2560x128xi32, #tpu.memory_space<hbm>> -> memref<1x128xi32, #tpu.memory_space<hbm>>
    %dma_start3A_94 = tpu.memref_squeeze %dma_start3A_93 : memref<1x128xi32, #tpu.memory_space<hbm>> -> memref<128xi32, #tpu.memory_space<hbm>>
    %dma_start3A_95 = arith.constant 0 : i32
    %dma_start3A_96 = tpu.memref_slice %arg6[%dma_start3A_88, %dma_start3A_95] : memref<4x128xi32, #tpu.memory_space<vmem>> -> memref<1x128xi32, #tpu.memory_space<vmem>>
    %dma_start3A_97 = tpu.memref_squeeze %dma_start3A_96 : memref<1x128xi32, #tpu.memory_space<vmem>> -> memref<128xi32, #tpu.memory_space<vmem>>
    %dma_start3A_98 = arith.constant 0 : i32
    %dma_start3A_99 = tpu.memref_slice %arg4[%add3A_87, %dma_start3A_98] : memref<2560x128xi32, #tpu.memory_space<hbm>> -> memref<1x128xi32, #tpu.memory_space<hbm>>
    %dma_start3A_100 = tpu.memref_squeeze %dma_start3A_99 : memref<1x128xi32, #tpu.memory_space<hbm>> -> memref<128xi32, #tpu.memory_space<hbm>>
    tpu.enqueue_dma source(%dma_start3A_100 : memref<128xi32, #tpu.memory_space<hbm>>) target(%dma_start3A_97 : memref<128xi32, #tpu.memory_space<vmem>>) target_semaphore(%arg13 : memref<!tpu.dma_semaphore, #tpu.memory_space<semaphore_mem>>)
    %add3A_101 = arith.constant 3 : i32
    %add3A_102 = arith.addi %mul3A_2, %add3A_101 : i32
    %dma_start3A_103 = arith.constant 3 : i32
    %dma_start3A_104 = arith.constant 0 : i32
    %dma_start3A_105 = tpu.memref_slice %arg7[%dma_start3A_103, %dma_start3A_104] : memref<4x128xi32, #tpu.memory_space<vmem>> -> memref<1x128xi32, #tpu.memory_space<vmem>>
    %dma_start3A_106 = tpu.memref_squeeze %dma_start3A_105 : memref<1x128xi32, #tpu.memory_space<vmem>> -> memref<128xi32, #tpu.memory_space<vmem>>
    %dma_start3A_107 = arith.constant 0 : i32
    %dma_start3A_108 = tpu.memref_slice %arg3[%add3A_102, %dma_start3A_107] : memref<2560x128xi32, #tpu.memory_space<hbm>> -> memref<1x128xi32, #tpu.memory_space<hbm>>
    %dma_start3A_109 = tpu.memref_squeeze %dma_start3A_108 : memref<1x128xi32, #tpu.memory_space<hbm>> -> memref<128xi32, #tpu.memory_space<hbm>>
    %dma_start3A_110 = arith.constant 0 : i32
    %dma_start3A_111 = tpu.memref_slice %arg7[%dma_start3A_103, %dma_start3A_110] : memref<4x128xi32, #tpu.memory_space<vmem>> -> memref<1x128xi32, #tpu.memory_space<vmem>>
    %dma_start3A_112 = tpu.memref_squeeze %dma_start3A_111 : memref<1x128xi32, #tpu.memory_space<vmem>> -> memref<128xi32, #tpu.memory_space<vmem>>
    %dma_start3A_113 = arith.constant 0 : i32
    %dma_start3A_114 = tpu.memref_slice %arg3[%add3A_102, %dma_start3A_113] : memref<2560x128xi32, #tpu.memory_space<hbm>> -> memref<1x128xi32, #tpu.memory_space<hbm>>
    %dma_start3A_115 = tpu.memref_squeeze %dma_start3A_114 : memref<1x128xi32, #tpu.memory_space<hbm>> -> memref<128xi32, #tpu.memory_space<hbm>>
    tpu.enqueue_dma source(%dma_start3A_115 : memref<128xi32, #tpu.memory_space<hbm>>) target(%dma_start3A_112 : memref<128xi32, #tpu.memory_space<vmem>>) target_semaphore(%arg14 : memref<!tpu.dma_semaphore, #tpu.memory_space<semaphore_mem>>)
    %add3A_116 = arith.constant 3 : i32
    %add3A_117 = arith.addi %mul3A_2, %add3A_116 : i32
    %dma_start3A_118 = arith.constant 3 : i32
    %dma_start3A_119 = arith.constant 0 : i32
    %dma_start3A_120 = tpu.memref_slice %arg6[%dma_start3A_118, %dma_start3A_119] : memref<4x128xi32, #tpu.memory_space<vmem>> -> memref<1x128xi32, #tpu.memory_space<vmem>>
    %dma_start3A_121 = tpu.memref_squeeze %dma_start3A_120 : memref<1x128xi32, #tpu.memory_space<vmem>> -> memref<128xi32, #tpu.memory_space<vmem>>
    %dma_start3A_122 = arith.constant 0 : i32
    %dma_start3A_123 = tpu.memref_slice %arg4[%add3A_117, %dma_start3A_122] : memref<2560x128xi32, #tpu.memory_space<hbm>> -> memref<1x128xi32, #tpu.memory_space<hbm>>
    %dma_start3A_124 = tpu.memref_squeeze %dma_start3A_123 : memref<1x128xi32, #tpu.memory_space<hbm>> -> memref<128xi32, #tpu.memory_space<hbm>>
    %dma_start3A_125 = arith.constant 0 : i32
    %dma_start3A_126 = tpu.memref_slice %arg6[%dma_start3A_118, %dma_start3A_125] : memref<4x128xi32, #tpu.memory_space<vmem>> -> memref<1x128xi32, #tpu.memory_space<vmem>>
    %dma_start3A_127 = tpu.memref_squeeze %dma_start3A_126 : memref<1x128xi32, #tpu.memory_space<vmem>> -> memref<128xi32, #tpu.memory_space<vmem>>
    %dma_start3A_128 = arith.constant 0 : i32
    %dma_start3A_129 = tpu.memref_slice %arg4[%add3A_117, %dma_start3A_128] : memref<2560x128xi32, #tpu.memory_space<hbm>> -> memref<1x128xi32, #tpu.memory_space<hbm>>
    %dma_start3A_130 = tpu.memref_squeeze %dma_start3A_129 : memref<1x128xi32, #tpu.memory_space<hbm>> -> memref<128xi32, #tpu.memory_space<hbm>>
    tpu.enqueue_dma source(%dma_start3A_130 : memref<128xi32, #tpu.memory_space<hbm>>) target(%dma_start3A_127 : memref<128xi32, #tpu.memory_space<vmem>>) target_semaphore(%arg14 : memref<!tpu.dma_semaphore, #tpu.memory_space<semaphore_mem>>)
    %dma_wait3A = arith.constant 0 : i32
    %dma_wait3A_131 = arith.constant 0 : i32
    %dma_wait3A_132 = arith.constant 0 : i32
    %dma_wait3A_133 = tpu.memref_slice %arg7[%dma_wait3A_131, %dma_wait3A_132] : memref<4x128xi32, #tpu.memory_space<vmem>> -> memref<1x128xi32, #tpu.memory_space<vmem>>
    %dma_wait3A_134 = tpu.memref_squeeze %dma_wait3A_133 : memref<1x128xi32, #tpu.memory_space<vmem>> -> memref<128xi32, #tpu.memory_space<vmem>>
    %dma_wait3A_135 = arith.constant 0 : i32
    %dma_wait3A_136 = tpu.memref_slice %arg3[%dma_wait3A, %dma_wait3A_135] : memref<2560x128xi32, #tpu.memory_space<hbm>> -> memref<1x128xi32, #tpu.memory_space<hbm>>
    %dma_wait3A_137 = tpu.memref_squeeze %dma_wait3A_136 : memref<1x128xi32, #tpu.memory_space<hbm>> -> memref<128xi32, #tpu.memory_space<hbm>>
    %dma_wait3A_138 = arith.constant 0 : i32
    %dma_wait3A_139 = tpu.memref_slice %arg7[%dma_wait3A_131, %dma_wait3A_138] : memref<4x128xi32, #tpu.memory_space<vmem>> -> memref<1x128xi32, #tpu.memory_space<vmem>>
    %dma_wait3A_140 = tpu.memref_squeeze %dma_wait3A_139 : memref<1x128xi32, #tpu.memory_space<vmem>> -> memref<128xi32, #tpu.memory_space<vmem>>
    %dma_wait3A_141 = arith.constant 0 : i32
    %dma_wait3A_142 = tpu.memref_slice %arg3[%dma_wait3A, %dma_wait3A_141] : memref<2560x128xi32, #tpu.memory_space<hbm>> -> memref<1x128xi32, #tpu.memory_space<hbm>>
    %dma_wait3A_143 = tpu.memref_squeeze %dma_wait3A_142 : memref<1x128xi32, #tpu.memory_space<hbm>> -> memref<128xi32, #tpu.memory_space<hbm>>
    tpu.wait_dma2 semaphore(%arg11 : memref<!tpu.dma_semaphore, #tpu.memory_space<semaphore_mem>>) src(%dma_wait3A_143 : memref<128xi32, #tpu.memory_space<hbm>>) dst(%dma_wait3A_140 : memref<128xi32, #tpu.memory_space<vmem>>)
    %dma_wait3A_144 = arith.constant 0 : i32
    %dma_wait3A_145 = arith.constant 0 : i32
    %dma_wait3A_146 = arith.constant 0 : i32
    %dma_wait3A_147 = tpu.memref_slice %arg6[%dma_wait3A_145, %dma_wait3A_146] : memref<4x128xi32, #tpu.memory_space<vmem>> -> memref<1x128xi32, #tpu.memory_space<vmem>>
    %dma_wait3A_148 = tpu.memref_squeeze %dma_wait3A_147 : memref<1x128xi32, #tpu.memory_space<vmem>> -> memref<128xi32, #tpu.memory_space<vmem>>
    %dma_wait3A_149 = arith.constant 0 : i32
    %dma_wait3A_150 = tpu.memref_slice %arg4[%dma_wait3A_144, %dma_wait3A_149] : memref<2560x128xi32, #tpu.memory_space<hbm>> -> memref<1x128xi32, #tpu.memory_space<hbm>>
    %dma_wait3A_151 = tpu.memref_squeeze %dma_wait3A_150 : memref<1x128xi32, #tpu.memory_space<hbm>> -> memref<128xi32, #tpu.memory_space<hbm>>
    %dma_wait3A_152 = arith.constant 0 : i32
    %dma_wait3A_153 = tpu.memref_slice %arg6[%dma_wait3A_145, %dma_wait3A_152] : memref<4x128xi32, #tpu.memory_space<vmem>> -> memref<1x128xi32, #tpu.memory_space<vmem>>
    %dma_wait3A_154 = tpu.memref_squeeze %dma_wait3A_153 : memref<1x128xi32, #tpu.memory_space<vmem>> -> memref<128xi32, #tpu.memory_space<vmem>>
    %dma_wait3A_155 = arith.constant 0 : i32
    %dma_wait3A_156 = tpu.memref_slice %arg4[%dma_wait3A_144, %dma_wait3A_155] : memref<2560x128xi32, #tpu.memory_space<hbm>> -> memref<1x128xi32, #tpu.memory_space<hbm>>
    %dma_wait3A_157 = tpu.memref_squeeze %dma_wait3A_156 : memref<1x128xi32, #tpu.memory_space<hbm>> -> memref<128xi32, #tpu.memory_space<hbm>>
    tpu.wait_dma2 semaphore(%arg11 : memref<!tpu.dma_semaphore, #tpu.memory_space<semaphore_mem>>) src(%dma_wait3A_157 : memref<128xi32, #tpu.memory_space<hbm>>) dst(%dma_wait3A_154 : memref<128xi32, #tpu.memory_space<vmem>>)
    %dma_start3A_158 = arith.constant 0 : i32
    %dma_start3A_159 = arith.constant 0 : i32
    %dma_start3A_160 = tpu.memref_slice %arg6[%dma_start3A_158, %dma_start3A_159] : memref<4x128xi32, #tpu.memory_space<vmem>> -> memref<1x128xi32, #tpu.memory_space<vmem>>
    %dma_start3A_161 = tpu.memref_squeeze %dma_start3A_160 : memref<1x128xi32, #tpu.memory_space<vmem>> -> memref<128xi32, #tpu.memory_space<vmem>>
    %dma_start3A_162 = arith.constant 0 : i32
    %dma_start3A_163 = arith.constant 0 : i32
    %dma_start3A_164 = tpu.memref_slice %arg2[%dma_start3A_162, %dma_start3A_163] : memref<10000x128xf32, #tpu.memory_space<hbm>> -> memref<10000x128xf32, #tpu.memory_space<hbm>>
    tpu.enqueue_indirect_dma source(%dma_start3A_164 : memref<10000x128xf32, #tpu.memory_space<hbm>>) target(%arg8 : memref<128x128xf32, #tpu.memory_space<vmem>>) offsets(%dma_start3A_161 : memref<128xi32, #tpu.memory_space<vmem>>) semaphore(%arg15 : memref<!tpu.dma_semaphore, #tpu.memory_space<semaphore_mem>>)
    %dma_wait3A_165 = arith.constant 0 : i32
    %dma_wait3A_166 = arith.constant 1 : i32
    %dma_wait3A_167 = arith.constant 0 : i32
    %dma_wait3A_168 = tpu.memref_slice %arg7[%dma_wait3A_166, %dma_wait3A_167] : memref<4x128xi32, #tpu.memory_space<vmem>> -> memref<1x128xi32, #tpu.memory_space<vmem>>
    %dma_wait3A_169 = tpu.memref_squeeze %dma_wait3A_168 : memref<1x128xi32, #tpu.memory_space<vmem>> -> memref<128xi32, #tpu.memory_space<vmem>>
    %dma_wait3A_170 = arith.constant 0 : i32
    %dma_wait3A_171 = tpu.memref_slice %arg3[%dma_wait3A_165, %dma_wait3A_170] : memref<2560x128xi32, #tpu.memory_space<hbm>> -> memref<1x128xi32, #tpu.memory_space<hbm>>
    %dma_wait3A_172 = tpu.memref_squeeze %dma_wait3A_171 : memref<1x128xi32, #tpu.memory_space<hbm>> -> memref<128xi32, #tpu.memory_space<hbm>>
    %dma_wait3A_173 = arith.constant 0 : i32
    %dma_wait3A_174 = tpu.memref_slice %arg7[%dma_wait3A_166, %dma_wait3A_173] : memref<4x128xi32, #tpu.memory_space<vmem>> -> memref<1x128xi32, #tpu.memory_space<vmem>>
    %dma_wait3A_175 = tpu.memref_squeeze %dma_wait3A_174 : memref<1x128xi32, #tpu.memory_space<vmem>> -> memref<128xi32, #tpu.memory_space<vmem>>
    %dma_wait3A_176 = arith.constant 0 : i32
    %dma_wait3A_177 = tpu.memref_slice %arg3[%dma_wait3A_165, %dma_wait3A_176] : memref<2560x128xi32, #tpu.memory_space<hbm>> -> memref<1x128xi32, #tpu.memory_space<hbm>>
    %dma_wait3A_178 = tpu.memref_squeeze %dma_wait3A_177 : memref<1x128xi32, #tpu.memory_space<hbm>> -> memref<128xi32, #tpu.memory_space<hbm>>
    tpu.wait_dma2 semaphore(%arg12 : memref<!tpu.dma_semaphore, #tpu.memory_space<semaphore_mem>>) src(%dma_wait3A_178 : memref<128xi32, #tpu.memory_space<hbm>>) dst(%dma_wait3A_175 : memref<128xi32, #tpu.memory_space<vmem>>)
    %dma_wait3A_179 = arith.constant 0 : i32
    %dma_wait3A_180 = arith.constant 1 : i32
    %dma_wait3A_181 = arith.constant 0 : i32
    %dma_wait3A_182 = tpu.memref_slice %arg6[%dma_wait3A_180, %dma_wait3A_181] : memref<4x128xi32, #tpu.memory_space<vmem>> -> memref<1x128xi32, #tpu.memory_space<vmem>>
    %dma_wait3A_183 = tpu.memref_squeeze %dma_wait3A_182 : memref<1x128xi32, #tpu.memory_space<vmem>> -> memref<128xi32, #tpu.memory_space<vmem>>
    %dma_wait3A_184 = arith.constant 0 : i32
    %dma_wait3A_185 = tpu.memref_slice %arg4[%dma_wait3A_179, %dma_wait3A_184] : memref<2560x128xi32, #tpu.memory_space<hbm>> -> memref<1x128xi32, #tpu.memory_space<hbm>>
    %dma_wait3A_186 = tpu.memref_squeeze %dma_wait3A_185 : memref<1x128xi32, #tpu.memory_space<hbm>> -> memref<128xi32, #tpu.memory_space<hbm>>
    %dma_wait3A_187 = arith.constant 0 : i32
    %dma_wait3A_188 = tpu.memref_slice %arg6[%dma_wait3A_180, %dma_wait3A_187] : memref<4x128xi32, #tpu.memory_space<vmem>> -> memref<1x128xi32, #tpu.memory_space<vmem>>
    %dma_wait3A_189 = tpu.memref_squeeze %dma_wait3A_188 : memref<1x128xi32, #tpu.memory_space<vmem>> -> memref<128xi32, #tpu.memory_space<vmem>>
    %dma_wait3A_190 = arith.constant 0 : i32
    %dma_wait3A_191 = tpu.memref_slice %arg4[%dma_wait3A_179, %dma_wait3A_190] : memref<2560x128xi32, #tpu.memory_space<hbm>> -> memref<1x128xi32, #tpu.memory_space<hbm>>
    %dma_wait3A_192 = tpu.memref_squeeze %dma_wait3A_191 : memref<1x128xi32, #tpu.memory_space<hbm>> -> memref<128xi32, #tpu.memory_space<hbm>>
    tpu.wait_dma2 semaphore(%arg12 : memref<!tpu.dma_semaphore, #tpu.memory_space<semaphore_mem>>) src(%dma_wait3A_192 : memref<128xi32, #tpu.memory_space<hbm>>) dst(%dma_wait3A_189 : memref<128xi32, #tpu.memory_space<vmem>>)
    %dma_start3A_193 = arith.constant 1 : i32
    %dma_start3A_194 = arith.constant 0 : i32
    %dma_start3A_195 = tpu.memref_slice %arg6[%dma_start3A_193, %dma_start3A_194] : memref<4x128xi32, #tpu.memory_space<vmem>> -> memref<1x128xi32, #tpu.memory_space<vmem>>
    %dma_start3A_196 = tpu.memref_squeeze %dma_start3A_195 : memref<1x128xi32, #tpu.memory_space<vmem>> -> memref<128xi32, #tpu.memory_space<vmem>>
    %dma_start3A_197 = arith.constant 0 : i32
    %dma_start3A_198 = arith.constant 0 : i32
    %dma_start3A_199 = tpu.memref_slice %arg2[%dma_start3A_197, %dma_start3A_198] : memref<10000x128xf32, #tpu.memory_space<hbm>> -> memref<10000x128xf32, #tpu.memory_space<hbm>>
    tpu.enqueue_indirect_dma source(%dma_start3A_199 : memref<10000x128xf32, #tpu.memory_space<hbm>>) target(%arg9 : memref<128x128xf32, #tpu.memory_space<vmem>>) offsets(%dma_start3A_196 : memref<128xi32, #tpu.memory_space<vmem>>) semaphore(%arg16 : memref<!tpu.dma_semaphore, #tpu.memory_space<semaphore_mem>>)
    %scan3A_200 = arith.constant 0 : i32
    %scan3A_201 = arith.constant 18 : i32
    %scan3A_202 = arith.addi %scan3A_200, %scan3A_201 : i32
    %scan3A_203 = arith.constant 1 : i32
    scf.for %scan3A_603 = %scan3A_200 to %scan3A_202 step %scan3A_203  : i32 {
      %mul3A_604 = arith.constant 4 : i32
      %mul3A_605 = arith.muli %scan3A_603, %mul3A_604 : i32
      %add3A_606 = arith.constant 0 : i32
      %add3A_607 = arith.addi %add3A_606, %mul3A_605 : i32
      %add3A_608 = arith.constant 0 : i32
      %add3A_609 = arith.addi %add3A_607, %add3A_608 : i32
      %dma_wait3A_610 = arith.constant 0 : i32
      %dma_wait3A_611 = arith.constant 0 : i32
      %dma_wait3A_612 = tpu.memref_slice %arg6[%dma_wait3A_610, %dma_wait3A_611] : memref<4x128xi32, #tpu.memory_space<vmem>> -> memref<1x128xi32, #tpu.memory_space<vmem>>
      %dma_wait3A_613 = tpu.memref_squeeze %dma_wait3A_612 : memref<1x128xi32, #tpu.memory_space<vmem>> -> memref<128xi32, #tpu.memory_space<vmem>>
      %dma_wait3A_614 = arith.constant 0 : i32
      %dma_wait3A_615 = arith.constant 0 : i32
      %dma_wait3A_616 = tpu.memref_slice %arg2[%dma_wait3A_614, %dma_wait3A_615] : memref<10000x128xf32, #tpu.memory_space<hbm>> -> memref<10000x128xf32, #tpu.memory_space<hbm>>
      tpu.wait_indirect_dma semaphore(%arg15 : memref<!tpu.dma_semaphore, #tpu.memory_space<semaphore_mem>>) src(%dma_wait3A_616 : memref<10000x128xf32, #tpu.memory_space<hbm>>) dst(%arg8 : memref<128x128xf32, #tpu.memory_space<vmem>>)
      %run_scoped3A_617 = arith.constant 0 : i32
      "tpu.region"() ({
        %run_scoped3A_916 = tpu.sem_alloc : memref<!tpu.dma_semaphore, #tpu.memory_space<semaphore_mem>>
        %dma_start3A_917 = arith.constant 0 : i32
        %dma_start3A_918 = tpu.memref_slice %arg7[%run_scoped3A_617, %dma_start3A_917] : memref<4x128xi32, #tpu.memory_space<vmem>> -> memref<1x128xi32, #tpu.memory_space<vmem>>
        %dma_start3A_919 = tpu.memref_squeeze %dma_start3A_918 : memref<1x128xi32, #tpu.memory_space<vmem>> -> memref<128xi32, #tpu.memory_space<vmem>>
        %dma_start3A_920 = arith.constant 0 : i32
        %dma_start3A_921 = arith.constant 0 : i32
        %dma_start3A_922 = tpu.memref_slice %arg10[%dma_start3A_920, %dma_start3A_921] : memref<10240x128xf32, #tpu.memory_space<vmem_shared>> -> memref<10240x128xf32, #tpu.memory_space<vmem_shared>>
        tpu.enqueue_indirect_dma source(%arg8 : memref<128x128xf32, #tpu.memory_space<vmem>>) target(%dma_start3A_922 : memref<10240x128xf32, #tpu.memory_space<vmem_shared>>) offsets(%dma_start3A_919 : memref<128xi32, #tpu.memory_space<vmem>>) semaphore(%run_scoped3A_916 : memref<!tpu.dma_semaphore, #tpu.memory_space<semaphore_mem>>) {add = true}
        %dma_wait3A_923 = arith.constant 0 : i32
        %dma_wait3A_924 = tpu.memref_slice %arg7[%run_scoped3A_617, %dma_wait3A_923] : memref<4x128xi32, #tpu.memory_space<vmem>> -> memref<1x128xi32, #tpu.memory_space<vmem>>
        %dma_wait3A_925 = tpu.memref_squeeze %dma_wait3A_924 : memref<1x128xi32, #tpu.memory_space<vmem>> -> memref<128xi32, #tpu.memory_space<vmem>>
        %dma_wait3A_926 = arith.constant 0 : i32
        %dma_wait3A_927 = arith.constant 0 : i32
        %dma_wait3A_928 = tpu.memref_slice %arg10[%dma_wait3A_926, %dma_wait3A_927] : memref<10240x128xf32, #tpu.memory_space<vmem_shared>> -> memref<10240x128xf32, #tpu.memory_space<vmem_shared>>
        tpu.wait_indirect_dma semaphore(%run_scoped3A_916 : memref<!tpu.dma_semaphore, #tpu.memory_space<semaphore_mem>>) src(%arg8 : memref<128x128xf32, #tpu.memory_space<vmem>>) dst(%dma_wait3A_928 : memref<10240x128xf32, #tpu.memory_space<vmem_shared>>)
        tpu.yield
      }) : () -> ()
      %add3A_618 = arith.constant 4 : i32
      %add3A_619 = arith.addi %add3A_609, %add3A_618 : i32
      %add3A_620 = arith.addi %mul3A_2, %add3A_619 : i32
      %dma_start3A_621 = arith.constant 0 : i32
      %dma_start3A_622 = arith.constant 0 : i32
      %dma_start3A_623 = tpu.memref_slice %arg7[%dma_start3A_621, %dma_start3A_622] : memref<4x128xi32, #tpu.memory_space<vmem>> -> memref<1x128xi32, #tpu.memory_space<vmem>>
      %dma_start3A_624 = tpu.memref_squeeze %dma_start3A_623 : memref<1x128xi32, #tpu.memory_space<vmem>> -> memref<128xi32, #tpu.memory_space<vmem>>
      %dma_start3A_625 = arith.constant 0 : i32
      %dma_start3A_626 = tpu.memref_slice %arg3[%add3A_620, %dma_start3A_625] : memref<2560x128xi32, #tpu.memory_space<hbm>> -> memref<1x128xi32, #tpu.memory_space<hbm>>
      %dma_start3A_627 = tpu.memref_squeeze %dma_start3A_626 : memref<1x128xi32, #tpu.memory_space<hbm>> -> memref<128xi32, #tpu.memory_space<hbm>>
      %dma_start3A_628 = arith.constant 0 : i32
      %dma_start3A_629 = tpu.memref_slice %arg7[%dma_start3A_621, %dma_start3A_628] : memref<4x128xi32, #tpu.memory_space<vmem>> -> memref<1x128xi32, #tpu.memory_space<vmem>>
      %dma_start3A_630 = tpu.memref_squeeze %dma_start3A_629 : memref<1x128xi32, #tpu.memory_space<vmem>> -> memref<128xi32, #tpu.memory_space<vmem>>
      %dma_start3A_631 = arith.constant 0 : i32
      %dma_start3A_632 = tpu.memref_slice %arg3[%add3A_620, %dma_start3A_631] : memref<2560x128xi32, #tpu.memory_space<hbm>> -> memref<1x128xi32, #tpu.memory_space<hbm>>
      %dma_start3A_633 = tpu.memref_squeeze %dma_start3A_632 : memref<1x128xi32, #tpu.memory_space<hbm>> -> memref<128xi32, #tpu.memory_space<hbm>>
      tpu.enqueue_dma source(%dma_start3A_633 : memref<128xi32, #tpu.memory_space<hbm>>) target(%dma_start3A_630 : memref<128xi32, #tpu.memory_space<vmem>>) target_semaphore(%arg11 : memref<!tpu.dma_semaphore, #tpu.memory_space<semaphore_mem>>)
      %add3A_634 = arith.addi %mul3A_2, %add3A_619 : i32
      %dma_start3A_635 = arith.constant 0 : i32
      %dma_start3A_636 = arith.constant 0 : i32
      %dma_start3A_637 = tpu.memref_slice %arg6[%dma_start3A_635, %dma_start3A_636] : memref<4x128xi32, #tpu.memory_space<vmem>> -> memref<1x128xi32, #tpu.memory_space<vmem>>
      %dma_start3A_638 = tpu.memref_squeeze %dma_start3A_637 : memref<1x128xi32, #tpu.memory_space<vmem>> -> memref<128xi32, #tpu.memory_space<vmem>>
      %dma_start3A_639 = arith.constant 0 : i32
      %dma_start3A_640 = tpu.memref_slice %arg4[%add3A_634, %dma_start3A_639] : memref<2560x128xi32, #tpu.memory_space<hbm>> -> memref<1x128xi32, #tpu.memory_space<hbm>>
      %dma_start3A_641 = tpu.memref_squeeze %dma_start3A_640 : memref<1x128xi32, #tpu.memory_space<hbm>> -> memref<128xi32, #tpu.memory_space<hbm>>
      %dma_start3A_642 = arith.constant 0 : i32
      %dma_start3A_643 = tpu.memref_slice %arg6[%dma_start3A_635, %dma_start3A_642] : memref<4x128xi32, #tpu.memory_space<vmem>> -> memref<1x128xi32, #tpu.memory_space<vmem>>
      %dma_start3A_644 = tpu.memref_squeeze %dma_start3A_643 : memref<1x128xi32, #tpu.memory_space<vmem>> -> memref<128xi32, #tpu.memory_space<vmem>>
      %dma_start3A_645 = arith.constant 0 : i32
      %dma_start3A_646 = tpu.memref_slice %arg4[%add3A_634, %dma_start3A_645] : memref<2560x128xi32, #tpu.memory_space<hbm>> -> memref<1x128xi32, #tpu.memory_space<hbm>>
      %dma_start3A_647 = tpu.memref_squeeze %dma_start3A_646 : memref<1x128xi32, #tpu.memory_space<hbm>> -> memref<128xi32, #tpu.memory_space<hbm>>
      tpu.enqueue_dma source(%dma_start3A_647 : memref<128xi32, #tpu.memory_space<hbm>>) target(%dma_start3A_644 : memref<128xi32, #tpu.memory_space<vmem>>) target_semaphore(%arg11 : memref<!tpu.dma_semaphore, #tpu.memory_space<semaphore_mem>>)
      %add3A_648 = arith.constant 2 : i32
      %add3A_649 = arith.addi %add3A_609, %add3A_648 : i32
      %dma_wait3A_650 = arith.constant 0 : i32
      %dma_wait3A_651 = arith.constant 2 : i32
      %dma_wait3A_652 = arith.constant 0 : i32
      %dma_wait3A_653 = tpu.memref_slice %arg7[%dma_wait3A_651, %dma_wait3A_652] : memref<4x128xi32, #tpu.memory_space<vmem>> -> memref<1x128xi32, #tpu.memory_space<vmem>>
      %dma_wait3A_654 = tpu.memref_squeeze %dma_wait3A_653 : memref<1x128xi32, #tpu.memory_space<vmem>> -> memref<128xi32, #tpu.memory_space<vmem>>
      %dma_wait3A_655 = arith.constant 0 : i32
      %dma_wait3A_656 = tpu.memref_slice %arg3[%dma_wait3A_650, %dma_wait3A_655] : memref<2560x128xi32, #tpu.memory_space<hbm>> -> memref<1x128xi32, #tpu.memory_space<hbm>>
      %dma_wait3A_657 = tpu.memref_squeeze %dma_wait3A_656 : memref<1x128xi32, #tpu.memory_space<hbm>> -> memref<128xi32, #tpu.memory_space<hbm>>
      %dma_wait3A_658 = arith.constant 0 : i32
      %dma_wait3A_659 = tpu.memref_slice %arg7[%dma_wait3A_651, %dma_wait3A_658] : memref<4x128xi32, #tpu.memory_space<vmem>> -> memref<1x128xi32, #tpu.memory_space<vmem>>
      %dma_wait3A_660 = tpu.memref_squeeze %dma_wait3A_659 : memref<1x128xi32, #tpu.memory_space<vmem>> -> memref<128xi32, #tpu.memory_space<vmem>>
      %dma_wait3A_661 = arith.constant 0 : i32
      %dma_wait3A_662 = tpu.memref_slice %arg3[%dma_wait3A_650, %dma_wait3A_661] : memref<2560x128xi32, #tpu.memory_space<hbm>> -> memref<1x128xi32, #tpu.memory_space<hbm>>
      %dma_wait3A_663 = tpu.memref_squeeze %dma_wait3A_662 : memref<1x128xi32, #tpu.memory_space<hbm>> -> memref<128xi32, #tpu.memory_space<hbm>>
      tpu.wait_dma2 semaphore(%arg13 : memref<!tpu.dma_semaphore, #tpu.memory_space<semaphore_mem>>) src(%dma_wait3A_663 : memref<128xi32, #tpu.memory_space<hbm>>) dst(%dma_wait3A_660 : memref<128xi32, #tpu.memory_space<vmem>>)
      %dma_wait3A_664 = arith.constant 0 : i32
      %dma_wait3A_665 = arith.constant 2 : i32
      %dma_wait3A_666 = arith.constant 0 : i32
      %dma_wait3A_667 = tpu.memref_slice %arg6[%dma_wait3A_665, %dma_wait3A_666] : memref<4x128xi32, #tpu.memory_space<vmem>> -> memref<1x128xi32, #tpu.memory_space<vmem>>
      %dma_wait3A_668 = tpu.memref_squeeze %dma_wait3A_667 : memref<1x128xi32, #tpu.memory_space<vmem>> -> memref<128xi32, #tpu.memory_space<vmem>>
      %dma_wait3A_669 = arith.constant 0 : i32
      %dma_wait3A_670 = tpu.memref_slice %arg4[%dma_wait3A_664, %dma_wait3A_669] : memref<2560x128xi32, #tpu.memory_space<hbm>> -> memref<1x128xi32, #tpu.memory_space<hbm>>
      %dma_wait3A_671 = tpu.memref_squeeze %dma_wait3A_670 : memref<1x128xi32, #tpu.memory_space<hbm>> -> memref<128xi32, #tpu.memory_space<hbm>>
      %dma_wait3A_672 = arith.constant 0 : i32
      %dma_wait3A_673 = tpu.memref_slice %arg6[%dma_wait3A_665, %dma_wait3A_672] : memref<4x128xi32, #tpu.memory_space<vmem>> -> memref<1x128xi32, #tpu.memory_space<vmem>>
      %dma_wait3A_674 = tpu.memref_squeeze %dma_wait3A_673 : memref<1x128xi32, #tpu.memory_space<vmem>> -> memref<128xi32, #tpu.memory_space<vmem>>
      %dma_wait3A_675 = arith.constant 0 : i32
      %dma_wait3A_676 = tpu.memref_slice %arg4[%dma_wait3A_664, %dma_wait3A_675] : memref<2560x128xi32, #tpu.memory_space<hbm>> -> memref<1x128xi32, #tpu.memory_space<hbm>>
      %dma_wait3A_677 = tpu.memref_squeeze %dma_wait3A_676 : memref<1x128xi32, #tpu.memory_space<hbm>> -> memref<128xi32, #tpu.memory_space<hbm>>
      tpu.wait_dma2 semaphore(%arg13 : memref<!tpu.dma_semaphore, #tpu.memory_space<semaphore_mem>>) src(%dma_wait3A_677 : memref<128xi32, #tpu.memory_space<hbm>>) dst(%dma_wait3A_674 : memref<128xi32, #tpu.memory_space<vmem>>)
      %dma_start3A_678 = arith.constant 2 : i32
      %dma_start3A_679 = arith.constant 0 : i32
      %dma_start3A_680 = tpu.memref_slice %arg6[%dma_start3A_678, %dma_start3A_679] : memref<4x128xi32, #tpu.memory_space<vmem>> -> memref<1x128xi32, #tpu.memory_space<vmem>>
      %dma_start3A_681 = tpu.memref_squeeze %dma_start3A_680 : memref<1x128xi32, #tpu.memory_space<vmem>> -> memref<128xi32, #tpu.memory_space<vmem>>
      %dma_start3A_682 = arith.constant 0 : i32
      %dma_start3A_683 = arith.constant 0 : i32
      %dma_start3A_684 = tpu.memref_slice %arg2[%dma_start3A_682, %dma_start3A_683] : memref<10000x128xf32, #tpu.memory_space<hbm>> -> memref<10000x128xf32, #tpu.memory_space<hbm>>
      tpu.enqueue_indirect_dma source(%dma_start3A_684 : memref<10000x128xf32, #tpu.memory_space<hbm>>) target(%arg8 : memref<128x128xf32, #tpu.memory_space<vmem>>) offsets(%dma_start3A_681 : memref<128xi32, #tpu.memory_space<vmem>>) semaphore(%arg15 : memref<!tpu.dma_semaphore, #tpu.memory_space<semaphore_mem>>)
      %add3A_685 = arith.constant 1 : i32
      %add3A_686 = arith.addi %add3A_607, %add3A_685 : i32
      %dma_wait3A_687 = arith.constant 1 : i32
      %dma_wait3A_688 = arith.constant 0 : i32
      %dma_wait3A_689 = tpu.memref_slice %arg6[%dma_wait3A_687, %dma_wait3A_688] : memref<4x128xi32, #tpu.memory_space<vmem>> -> memref<1x128xi32, #tpu.memory_space<vmem>>
      %dma_wait3A_690 = tpu.memref_squeeze %dma_wait3A_689 : memref<1x128xi32, #tpu.memory_space<vmem>> -> memref<128xi32, #tpu.memory_space<vmem>>
      %dma_wait3A_691 = arith.constant 0 : i32
      %dma_wait3A_692 = arith.constant 0 : i32
      %dma_wait3A_693 = tpu.memref_slice %arg2[%dma_wait3A_691, %dma_wait3A_692] : memref<10000x128xf32, #tpu.memory_space<hbm>> -> memref<10000x128xf32, #tpu.memory_space<hbm>>
      tpu.wait_indirect_dma semaphore(%arg16 : memref<!tpu.dma_semaphore, #tpu.memory_space<semaphore_mem>>) src(%dma_wait3A_693 : memref<10000x128xf32, #tpu.memory_space<hbm>>) dst(%arg9 : memref<128x128xf32, #tpu.memory_space<vmem>>)
      %run_scoped3A_694 = arith.constant 1 : i32
      "tpu.region"() ({
        %run_scoped3A_916 = tpu.sem_alloc : memref<!tpu.dma_semaphore, #tpu.memory_space<semaphore_mem>>
        %dma_start3A_917 = arith.constant 0 : i32
        %dma_start3A_918 = tpu.memref_slice %arg7[%run_scoped3A_694, %dma_start3A_917] : memref<4x128xi32, #tpu.memory_space<vmem>> -> memref<1x128xi32, #tpu.memory_space<vmem>>
        %dma_start3A_919 = tpu.memref_squeeze %dma_start3A_918 : memref<1x128xi32, #tpu.memory_space<vmem>> -> memref<128xi32, #tpu.memory_space<vmem>>
        %dma_start3A_920 = arith.constant 0 : i32
        %dma_start3A_921 = arith.constant 0 : i32
        %dma_start3A_922 = tpu.memref_slice %arg10[%dma_start3A_920, %dma_start3A_921] : memref<10240x128xf32, #tpu.memory_space<vmem_shared>> -> memref<10240x128xf32, #tpu.memory_space<vmem_shared>>
        tpu.enqueue_indirect_dma source(%arg9 : memref<128x128xf32, #tpu.memory_space<vmem>>) target(%dma_start3A_922 : memref<10240x128xf32, #tpu.memory_space<vmem_shared>>) offsets(%dma_start3A_919 : memref<128xi32, #tpu.memory_space<vmem>>) semaphore(%run_scoped3A_916 : memref<!tpu.dma_semaphore, #tpu.memory_space<semaphore_mem>>) {add = true}
        %dma_wait3A_923 = arith.constant 0 : i32
        %dma_wait3A_924 = tpu.memref_slice %arg7[%run_scoped3A_694, %dma_wait3A_923] : memref<4x128xi32, #tpu.memory_space<vmem>> -> memref<1x128xi32, #tpu.memory_space<vmem>>
        %dma_wait3A_925 = tpu.memref_squeeze %dma_wait3A_924 : memref<1x128xi32, #tpu.memory_space<vmem>> -> memref<128xi32, #tpu.memory_space<vmem>>
        %dma_wait3A_926 = arith.constant 0 : i32
        %dma_wait3A_927 = arith.constant 0 : i32
        %dma_wait3A_928 = tpu.memref_slice %arg10[%dma_wait3A_926, %dma_wait3A_927] : memref<10240x128xf32, #tpu.memory_space<vmem_shared>> -> memref<10240x128xf32, #tpu.memory_space<vmem_shared>>
        tpu.wait_indirect_dma semaphore(%run_scoped3A_916 : memref<!tpu.dma_semaphore, #tpu.memory_space<semaphore_mem>>) src(%arg9 : memref<128x128xf32, #tpu.memory_space<vmem>>) dst(%dma_wait3A_928 : memref<10240x128xf32, #tpu.memory_space<vmem_shared>>)
        tpu.yield
      }) : () -> ()
      %add3A_695 = arith.constant 4 : i32
      %add3A_696 = arith.addi %add3A_686, %add3A_695 : i32
      %add3A_697 = arith.addi %mul3A_2, %add3A_696 : i32
      %dma_start3A_698 = arith.constant 1 : i32
      %dma_start3A_699 = arith.constant 0 : i32
      %dma_start3A_700 = tpu.memref_slice %arg7[%dma_start3A_698, %dma_start3A_699] : memref<4x128xi32, #tpu.memory_space<vmem>> -> memref<1x128xi32, #tpu.memory_space<vmem>>
      %dma_start3A_701 = tpu.memref_squeeze %dma_start3A_700 : memref<1x128xi32, #tpu.memory_space<vmem>> -> memref<128xi32, #tpu.memory_space<vmem>>
      %dma_start3A_702 = arith.constant 0 : i32
      %dma_start3A_703 = tpu.memref_slice %arg3[%add3A_697, %dma_start3A_702] : memref<2560x128xi32, #tpu.memory_space<hbm>> -> memref<1x128xi32, #tpu.memory_space<hbm>>
      %dma_start3A_704 = tpu.memref_squeeze %dma_start3A_703 : memref<1x128xi32, #tpu.memory_space<hbm>> -> memref<128xi32, #tpu.memory_space<hbm>>
      %dma_start3A_705 = arith.constant 0 : i32
      %dma_start3A_706 = tpu.memref_slice %arg7[%dma_start3A_698, %dma_start3A_705] : memref<4x128xi32, #tpu.memory_space<vmem>> -> memref<1x128xi32, #tpu.memory_space<vmem>>
      %dma_start3A_707 = tpu.memref_squeeze %dma_start3A_706 : memref<1x128xi32, #tpu.memory_space<vmem>> -> memref<128xi32, #tpu.memory_space<vmem>>
      %dma_start3A_708 = arith.constant 0 : i32
      %dma_start3A_709 = tpu.memref_slice %arg3[%add3A_697, %dma_start3A_708] : memref<2560x128xi32, #tpu.memory_space<hbm>> -> memref<1x128xi32, #tpu.memory_space<hbm>>
      %dma_start3A_710 = tpu.memref_squeeze %dma_start3A_709 : memref<1x128xi32, #tpu.memory_space<hbm>> -> memref<128xi32, #tpu.memory_space<hbm>>
      tpu.enqueue_dma source(%dma_start3A_710 : memref<128xi32, #tpu.memory_space<hbm>>) target(%dma_start3A_707 : memref<128xi32, #tpu.memory_space<vmem>>) target_semaphore(%arg12 : memref<!tpu.dma_semaphore, #tpu.memory_space<semaphore_mem>>)
      %add3A_711 = arith.addi %mul3A_2, %add3A_696 : i32
      %dma_start3A_712 = arith.constant 1 : i32
      %dma_start3A_713 = arith.constant 0 : i32
      %dma_start3A_714 = tpu.memref_slice %arg6[%dma_start3A_712, %dma_start3A_713] : memref<4x128xi32, #tpu.memory_space<vmem>> -> memref<1x128xi32, #tpu.memory_space<vmem>>
      %dma_start3A_715 = tpu.memref_squeeze %dma_start3A_714 : memref<1x128xi32, #tpu.memory_space<vmem>> -> memref<128xi32, #tpu.memory_space<vmem>>
      %dma_start3A_716 = arith.constant 0 : i32
      %dma_start3A_717 = tpu.memref_slice %arg4[%add3A_711, %dma_start3A_716] : memref<2560x128xi32, #tpu.memory_space<hbm>> -> memref<1x128xi32, #tpu.memory_space<hbm>>
      %dma_start3A_718 = tpu.memref_squeeze %dma_start3A_717 : memref<1x128xi32, #tpu.memory_space<hbm>> -> memref<128xi32, #tpu.memory_space<hbm>>
      %dma_start3A_719 = arith.constant 0 : i32
      %dma_start3A_720 = tpu.memref_slice %arg6[%dma_start3A_712, %dma_start3A_719] : memref<4x128xi32, #tpu.memory_space<vmem>> -> memref<1x128xi32, #tpu.memory_space<vmem>>
      %dma_start3A_721 = tpu.memref_squeeze %dma_start3A_720 : memref<1x128xi32, #tpu.memory_space<vmem>> -> memref<128xi32, #tpu.memory_space<vmem>>
      %dma_start3A_722 = arith.constant 0 : i32
      %dma_start3A_723 = tpu.memref_slice %arg4[%add3A_711, %dma_start3A_722] : memref<2560x128xi32, #tpu.memory_space<hbm>> -> memref<1x128xi32, #tpu.memory_space<hbm>>
      %dma_start3A_724 = tpu.memref_squeeze %dma_start3A_723 : memref<1x128xi32, #tpu.memory_space<hbm>> -> memref<128xi32, #tpu.memory_space<hbm>>
      tpu.enqueue_dma source(%dma_start3A_724 : memref<128xi32, #tpu.memory_space<hbm>>) target(%dma_start3A_721 : memref<128xi32, #tpu.memory_space<vmem>>) target_semaphore(%arg12 : memref<!tpu.dma_semaphore, #tpu.memory_space<semaphore_mem>>)
      %add3A_725 = arith.constant 2 : i32
      %add3A_726 = arith.addi %add3A_686, %add3A_725 : i32
      %dma_wait3A_727 = arith.constant 0 : i32
      %dma_wait3A_728 = arith.constant 3 : i32
      %dma_wait3A_729 = arith.constant 0 : i32
      %dma_wait3A_730 = tpu.memref_slice %arg7[%dma_wait3A_728, %dma_wait3A_729] : memref<4x128xi32, #tpu.memory_space<vmem>> -> memref<1x128xi32, #tpu.memory_space<vmem>>
      %dma_wait3A_731 = tpu.memref_squeeze %dma_wait3A_730 : memref<1x128xi32, #tpu.memory_space<vmem>> -> memref<128xi32, #tpu.memory_space<vmem>>
      %dma_wait3A_732 = arith.constant 0 : i32
      %dma_wait3A_733 = tpu.memref_slice %arg3[%dma_wait3A_727, %dma_wait3A_732] : memref<2560x128xi32, #tpu.memory_space<hbm>> -> memref<1x128xi32, #tpu.memory_space<hbm>>
      %dma_wait3A_734 = tpu.memref_squeeze %dma_wait3A_733 : memref<1x128xi32, #tpu.memory_space<hbm>> -> memref<128xi32, #tpu.memory_space<hbm>>
      %dma_wait3A_735 = arith.constant 0 : i32
      %dma_wait3A_736 = tpu.memref_slice %arg7[%dma_wait3A_728, %dma_wait3A_735] : memref<4x128xi32, #tpu.memory_space<vmem>> -> memref<1x128xi32, #tpu.memory_space<vmem>>
      %dma_wait3A_737 = tpu.memref_squeeze %dma_wait3A_736 : memref<1x128xi32, #tpu.memory_space<vmem>> -> memref<128xi32, #tpu.memory_space<vmem>>
      %dma_wait3A_738 = arith.constant 0 : i32
      %dma_wait3A_739 = tpu.memref_slice %arg3[%dma_wait3A_727, %dma_wait3A_738] : memref<2560x128xi32, #tpu.memory_space<hbm>> -> memref<1x128xi32, #tpu.memory_space<hbm>>
      %dma_wait3A_740 = tpu.memref_squeeze %dma_wait3A_739 : memref<1x128xi32, #tpu.memory_space<hbm>> -> memref<128xi32, #tpu.memory_space<hbm>>
      tpu.wait_dma2 semaphore(%arg14 : memref<!tpu.dma_semaphore, #tpu.memory_space<semaphore_mem>>) src(%dma_wait3A_740 : memref<128xi32, #tpu.memory_space<hbm>>) dst(%dma_wait3A_737 : memref<128xi32, #tpu.memory_space<vmem>>)
      %dma_wait3A_741 = arith.constant 0 : i32
      %dma_wait3A_742 = arith.constant 3 : i32
      %dma_wait3A_743 = arith.constant 0 : i32
      %dma_wait3A_744 = tpu.memref_slice %arg6[%dma_wait3A_742, %dma_wait3A_743] : memref<4x128xi32, #tpu.memory_space<vmem>> -> memref<1x128xi32, #tpu.memory_space<vmem>>
      %dma_wait3A_745 = tpu.memref_squeeze %dma_wait3A_744 : memref<1x128xi32, #tpu.memory_space<vmem>> -> memref<128xi32, #tpu.memory_space<vmem>>
      %dma_wait3A_746 = arith.constant 0 : i32
      %dma_wait3A_747 = tpu.memref_slice %arg4[%dma_wait3A_741, %dma_wait3A_746] : memref<2560x128xi32, #tpu.memory_space<hbm>> -> memref<1x128xi32, #tpu.memory_space<hbm>>
      %dma_wait3A_748 = tpu.memref_squeeze %dma_wait3A_747 : memref<1x128xi32, #tpu.memory_space<hbm>> -> memref<128xi32, #tpu.memory_space<hbm>>
      %dma_wait3A_749 = arith.constant 0 : i32
      %dma_wait3A_750 = tpu.memref_slice %arg6[%dma_wait3A_742, %dma_wait3A_749] : memref<4x128xi32, #tpu.memory_space<vmem>> -> memref<1x128xi32, #tpu.memory_space<vmem>>
      %dma_wait3A_751 = tpu.memref_squeeze %dma_wait3A_750 : memref<1x128xi32, #tpu.memory_space<vmem>> -> memref<128xi32, #tpu.memory_space<vmem>>
      %dma_wait3A_752 = arith.constant 0 : i32
      %dma_wait3A_753 = tpu.memref_slice %arg4[%dma_wait3A_741, %dma_wait3A_752] : memref<2560x128xi32, #tpu.memory_space<hbm>> -> memref<1x128xi32, #tpu.memory_space<hbm>>
      %dma_wait3A_754 = tpu.memref_squeeze %dma_wait3A_753 : memref<1x128xi32, #tpu.memory_space<hbm>> -> memref<128xi32, #tpu.memory_space<hbm>>
      tpu.wait_dma2 semaphore(%arg14 : memref<!tpu.dma_semaphore, #tpu.memory_space<semaphore_mem>>) src(%dma_wait3A_754 : memref<128xi32, #tpu.memory_space<hbm>>) dst(%dma_wait3A_751 : memref<128xi32, #tpu.memory_space<vmem>>)
      %dma_start3A_755 = arith.constant 3 : i32
      %dma_start3A_756 = arith.constant 0 : i32
      %dma_start3A_757 = tpu.memref_slice %arg6[%dma_start3A_755, %dma_start3A_756] : memref<4x128xi32, #tpu.memory_space<vmem>> -> memref<1x128xi32, #tpu.memory_space<vmem>>
      %dma_start3A_758 = tpu.memref_squeeze %dma_start3A_757 : memref<1x128xi32, #tpu.memory_space<vmem>> -> memref<128xi32, #tpu.memory_space<vmem>>
      %dma_start3A_759 = arith.constant 0 : i32
      %dma_start3A_760 = arith.constant 0 : i32
      %dma_start3A_761 = tpu.memref_slice %arg2[%dma_start3A_759, %dma_start3A_760] : memref<10000x128xf32, #tpu.memory_space<hbm>> -> memref<10000x128xf32, #tpu.memory_space<hbm>>
      tpu.enqueue_indirect_dma source(%dma_start3A_761 : memref<10000x128xf32, #tpu.memory_space<hbm>>) target(%arg9 : memref<128x128xf32, #tpu.memory_space<vmem>>) offsets(%dma_start3A_758 : memref<128xi32, #tpu.memory_space<vmem>>) semaphore(%arg16 : memref<!tpu.dma_semaphore, #tpu.memory_space<semaphore_mem>>)
      %add3A_762 = arith.constant 2 : i32
      %add3A_763 = arith.addi %add3A_607, %add3A_762 : i32
      %dma_wait3A_764 = arith.constant 2 : i32
      %dma_wait3A_765 = arith.constant 0 : i32
      %dma_wait3A_766 = tpu.memref_slice %arg6[%dma_wait3A_764, %dma_wait3A_765] : memref<4x128xi32, #tpu.memory_space<vmem>> -> memref<1x128xi32, #tpu.memory_space<vmem>>
      %dma_wait3A_767 = tpu.memref_squeeze %dma_wait3A_766 : memref<1x128xi32, #tpu.memory_space<vmem>> -> memref<128xi32, #tpu.memory_space<vmem>>
      %dma_wait3A_768 = arith.constant 0 : i32
      %dma_wait3A_769 = arith.constant 0 : i32
      %dma_wait3A_770 = tpu.memref_slice %arg2[%dma_wait3A_768, %dma_wait3A_769] : memref<10000x128xf32, #tpu.memory_space<hbm>> -> memref<10000x128xf32, #tpu.memory_space<hbm>>
      tpu.wait_indirect_dma semaphore(%arg15 : memref<!tpu.dma_semaphore, #tpu.memory_space<semaphore_mem>>) src(%dma_wait3A_770 : memref<10000x128xf32, #tpu.memory_space<hbm>>) dst(%arg8 : memref<128x128xf32, #tpu.memory_space<vmem>>)
      %run_scoped3A_771 = arith.constant 2 : i32
      "tpu.region"() ({
        %run_scoped3A_916 = tpu.sem_alloc : memref<!tpu.dma_semaphore, #tpu.memory_space<semaphore_mem>>
        %dma_start3A_917 = arith.constant 0 : i32
        %dma_start3A_918 = tpu.memref_slice %arg7[%run_scoped3A_771, %dma_start3A_917] : memref<4x128xi32, #tpu.memory_space<vmem>> -> memref<1x128xi32, #tpu.memory_space<vmem>>
        %dma_start3A_919 = tpu.memref_squeeze %dma_start3A_918 : memref<1x128xi32, #tpu.memory_space<vmem>> -> memref<128xi32, #tpu.memory_space<vmem>>
        %dma_start3A_920 = arith.constant 0 : i32
        %dma_start3A_921 = arith.constant 0 : i32
        %dma_start3A_922 = tpu.memref_slice %arg10[%dma_start3A_920, %dma_start3A_921] : memref<10240x128xf32, #tpu.memory_space<vmem_shared>> -> memref<10240x128xf32, #tpu.memory_space<vmem_shared>>
        tpu.enqueue_indirect_dma source(%arg8 : memref<128x128xf32, #tpu.memory_space<vmem>>) target(%dma_start3A_922 : memref<10240x128xf32, #tpu.memory_space<vmem_shared>>) offsets(%dma_start3A_919 : memref<128xi32, #tpu.memory_space<vmem>>) semaphore(%run_scoped3A_916 : memref<!tpu.dma_semaphore, #tpu.memory_space<semaphore_mem>>) {add = true}
        %dma_wait3A_923 = arith.constant 0 : i32
        %dma_wait3A_924 = tpu.memref_slice %arg7[%run_scoped3A_771, %dma_wait3A_923] : memref<4x128xi32, #tpu.memory_space<vmem>> -> memref<1x128xi32, #tpu.memory_space<vmem>>
        %dma_wait3A_925 = tpu.memref_squeeze %dma_wait3A_924 : memref<1x128xi32, #tpu.memory_space<vmem>> -> memref<128xi32, #tpu.memory_space<vmem>>
        %dma_wait3A_926 = arith.constant 0 : i32
        %dma_wait3A_927 = arith.constant 0 : i32
        %dma_wait3A_928 = tpu.memref_slice %arg10[%dma_wait3A_926, %dma_wait3A_927] : memref<10240x128xf32, #tpu.memory_space<vmem_shared>> -> memref<10240x128xf32, #tpu.memory_space<vmem_shared>>
        tpu.wait_indirect_dma semaphore(%run_scoped3A_916 : memref<!tpu.dma_semaphore, #tpu.memory_space<semaphore_mem>>) src(%arg8 : memref<128x128xf32, #tpu.memory_space<vmem>>) dst(%dma_wait3A_928 : memref<10240x128xf32, #tpu.memory_space<vmem_shared>>)
        tpu.yield
      }) : () -> ()
      %add3A_772 = arith.constant 4 : i32
      %add3A_773 = arith.addi %add3A_763, %add3A_772 : i32
      %add3A_774 = arith.addi %mul3A_2, %add3A_773 : i32
      %dma_start3A_775 = arith.constant 2 : i32
      %dma_start3A_776 = arith.constant 0 : i32
      %dma_start3A_777 = tpu.memref_slice %arg7[%dma_start3A_775, %dma_start3A_776] : memref<4x128xi32, #tpu.memory_space<vmem>> -> memref<1x128xi32, #tpu.memory_space<vmem>>
      %dma_start3A_778 = tpu.memref_squeeze %dma_start3A_777 : memref<1x128xi32, #tpu.memory_space<vmem>> -> memref<128xi32, #tpu.memory_space<vmem>>
      %dma_start3A_779 = arith.constant 0 : i32
      %dma_start3A_780 = tpu.memref_slice %arg3[%add3A_774, %dma_start3A_779] : memref<2560x128xi32, #tpu.memory_space<hbm>> -> memref<1x128xi32, #tpu.memory_space<hbm>>
      %dma_start3A_781 = tpu.memref_squeeze %dma_start3A_780 : memref<1x128xi32, #tpu.memory_space<hbm>> -> memref<128xi32, #tpu.memory_space<hbm>>
      %dma_start3A_782 = arith.constant 0 : i32
      %dma_start3A_783 = tpu.memref_slice %arg7[%dma_start3A_775, %dma_start3A_782] : memref<4x128xi32, #tpu.memory_space<vmem>> -> memref<1x128xi32, #tpu.memory_space<vmem>>
      %dma_start3A_784 = tpu.memref_squeeze %dma_start3A_783 : memref<1x128xi32, #tpu.memory_space<vmem>> -> memref<128xi32, #tpu.memory_space<vmem>>
      %dma_start3A_785 = arith.constant 0 : i32
      %dma_start3A_786 = tpu.memref_slice %arg3[%add3A_774, %dma_start3A_785] : memref<2560x128xi32, #tpu.memory_space<hbm>> -> memref<1x128xi32, #tpu.memory_space<hbm>>
      %dma_start3A_787 = tpu.memref_squeeze %dma_start3A_786 : memref<1x128xi32, #tpu.memory_space<hbm>> -> memref<128xi32, #tpu.memory_space<hbm>>
      tpu.enqueue_dma source(%dma_start3A_787 : memref<128xi32, #tpu.memory_space<hbm>>) target(%dma_start3A_784 : memref<128xi32, #tpu.memory_space<vmem>>) target_semaphore(%arg13 : memref<!tpu.dma_semaphore, #tpu.memory_space<semaphore_mem>>)
      %add3A_788 = arith.addi %mul3A_2, %add3A_773 : i32
      %dma_start3A_789 = arith.constant 2 : i32
      %dma_start3A_790 = arith.constant 0 : i32
      %dma_start3A_791 = tpu.memref_slice %arg6[%dma_start3A_789, %dma_start3A_790] : memref<4x128xi32, #tpu.memory_space<vmem>> -> memref<1x128xi32, #tpu.memory_space<vmem>>
      %dma_start3A_792 = tpu.memref_squeeze %dma_start3A_791 : memref<1x128xi32, #tpu.memory_space<vmem>> -> memref<128xi32, #tpu.memory_space<vmem>>
      %dma_start3A_793 = arith.constant 0 : i32
      %dma_start3A_794 = tpu.memref_slice %arg4[%add3A_788, %dma_start3A_793] : memref<2560x128xi32, #tpu.memory_space<hbm>> -> memref<1x128xi32, #tpu.memory_space<hbm>>
      %dma_start3A_795 = tpu.memref_squeeze %dma_start3A_794 : memref<1x128xi32, #tpu.memory_space<hbm>> -> memref<128xi32, #tpu.memory_space<hbm>>
      %dma_start3A_796 = arith.constant 0 : i32
      %dma_start3A_797 = tpu.memref_slice %arg6[%dma_start3A_789, %dma_start3A_796] : memref<4x128xi32, #tpu.memory_space<vmem>> -> memref<1x128xi32, #tpu.memory_space<vmem>>
      %dma_start3A_798 = tpu.memref_squeeze %dma_start3A_797 : memref<1x128xi32, #tpu.memory_space<vmem>> -> memref<128xi32, #tpu.memory_space<vmem>>
      %dma_start3A_799 = arith.constant 0 : i32
      %dma_start3A_800 = tpu.memref_slice %arg4[%add3A_788, %dma_start3A_799] : memref<2560x128xi32, #tpu.memory_space<hbm>> -> memref<1x128xi32, #tpu.memory_space<hbm>>
      %dma_start3A_801 = tpu.memref_squeeze %dma_start3A_800 : memref<1x128xi32, #tpu.memory_space<hbm>> -> memref<128xi32, #tpu.memory_space<hbm>>
      tpu.enqueue_dma source(%dma_start3A_801 : memref<128xi32, #tpu.memory_space<hbm>>) target(%dma_start3A_798 : memref<128xi32, #tpu.memory_space<vmem>>) target_semaphore(%arg13 : memref<!tpu.dma_semaphore, #tpu.memory_space<semaphore_mem>>)
      %add3A_802 = arith.constant 2 : i32
      %add3A_803 = arith.addi %add3A_763, %add3A_802 : i32
      %dma_wait3A_804 = arith.constant 0 : i32
      %dma_wait3A_805 = arith.constant 0 : i32
      %dma_wait3A_806 = arith.constant 0 : i32
      %dma_wait3A_807 = tpu.memref_slice %arg7[%dma_wait3A_805, %dma_wait3A_806] : memref<4x128xi32, #tpu.memory_space<vmem>> -> memref<1x128xi32, #tpu.memory_space<vmem>>
      %dma_wait3A_808 = tpu.memref_squeeze %dma_wait3A_807 : memref<1x128xi32, #tpu.memory_space<vmem>> -> memref<128xi32, #tpu.memory_space<vmem>>
      %dma_wait3A_809 = arith.constant 0 : i32
      %dma_wait3A_810 = tpu.memref_slice %arg3[%dma_wait3A_804, %dma_wait3A_809] : memref<2560x128xi32, #tpu.memory_space<hbm>> -> memref<1x128xi32, #tpu.memory_space<hbm>>
      %dma_wait3A_811 = tpu.memref_squeeze %dma_wait3A_810 : memref<1x128xi32, #tpu.memory_space<hbm>> -> memref<128xi32, #tpu.memory_space<hbm>>
      %dma_wait3A_812 = arith.constant 0 : i32
      %dma_wait3A_813 = tpu.memref_slice %arg7[%dma_wait3A_805, %dma_wait3A_812] : memref<4x128xi32, #tpu.memory_space<vmem>> -> memref<1x128xi32, #tpu.memory_space<vmem>>
      %dma_wait3A_814 = tpu.memref_squeeze %dma_wait3A_813 : memref<1x128xi32, #tpu.memory_space<vmem>> -> memref<128xi32, #tpu.memory_space<vmem>>
      %dma_wait3A_815 = arith.constant 0 : i32
      %dma_wait3A_816 = tpu.memref_slice %arg3[%dma_wait3A_804, %dma_wait3A_815] : memref<2560x128xi32, #tpu.memory_space<hbm>> -> memref<1x128xi32, #tpu.memory_space<hbm>>
      %dma_wait3A_817 = tpu.memref_squeeze %dma_wait3A_816 : memref<1x128xi32, #tpu.memory_space<hbm>> -> memref<128xi32, #tpu.memory_space<hbm>>
      tpu.wait_dma2 semaphore(%arg11 : memref<!tpu.dma_semaphore, #tpu.memory_space<semaphore_mem>>) src(%dma_wait3A_817 : memref<128xi32, #tpu.memory_space<hbm>>) dst(%dma_wait3A_814 : memref<128xi32, #tpu.memory_space<vmem>>)
      %dma_wait3A_818 = arith.constant 0 : i32
      %dma_wait3A_819 = arith.constant 0 : i32
      %dma_wait3A_820 = arith.constant 0 : i32
      %dma_wait3A_821 = tpu.memref_slice %arg6[%dma_wait3A_819, %dma_wait3A_820] : memref<4x128xi32, #tpu.memory_space<vmem>> -> memref<1x128xi32, #tpu.memory_space<vmem>>
      %dma_wait3A_822 = tpu.memref_squeeze %dma_wait3A_821 : memref<1x128xi32, #tpu.memory_space<vmem>> -> memref<128xi32, #tpu.memory_space<vmem>>
      %dma_wait3A_823 = arith.constant 0 : i32
      %dma_wait3A_824 = tpu.memref_slice %arg4[%dma_wait3A_818, %dma_wait3A_823] : memref<2560x128xi32, #tpu.memory_space<hbm>> -> memref<1x128xi32, #tpu.memory_space<hbm>>
      %dma_wait3A_825 = tpu.memref_squeeze %dma_wait3A_824 : memref<1x128xi32, #tpu.memory_space<hbm>> -> memref<128xi32, #tpu.memory_space<hbm>>
      %dma_wait3A_826 = arith.constant 0 : i32
      %dma_wait3A_827 = tpu.memref_slice %arg6[%dma_wait3A_819, %dma_wait3A_826] : memref<4x128xi32, #tpu.memory_space<vmem>> -> memref<1x128xi32, #tpu.memory_space<vmem>>
      %dma_wait3A_828 = tpu.memref_squeeze %dma_wait3A_827 : memref<1x128xi32, #tpu.memory_space<vmem>> -> memref<128xi32, #tpu.memory_space<vmem>>
      %dma_wait3A_829 = arith.constant 0 : i32
      %dma_wait3A_830 = tpu.memref_slice %arg4[%dma_wait3A_818, %dma_wait3A_829] : memref<2560x128xi32, #tpu.memory_space<hbm>> -> memref<1x128xi32, #tpu.memory_space<hbm>>
      %dma_wait3A_831 = tpu.memref_squeeze %dma_wait3A_830 : memref<1x128xi32, #tpu.memory_space<hbm>> -> memref<128xi32, #tpu.memory_space<hbm>>
      tpu.wait_dma2 semaphore(%arg11 : memref<!tpu.dma_semaphore, #tpu.memory_space<semaphore_mem>>) src(%dma_wait3A_831 : memref<128xi32, #tpu.memory_space<hbm>>) dst(%dma_wait3A_828 : memref<128xi32, #tpu.memory_space<vmem>>)
      %dma_start3A_832 = arith.constant 0 : i32
      %dma_start3A_833 = arith.constant 0 : i32
      %dma_start3A_834 = tpu.memref_slice %arg6[%dma_start3A_832, %dma_start3A_833] : memref<4x128xi32, #tpu.memory_space<vmem>> -> memref<1x128xi32, #tpu.memory_space<vmem>>
      %dma_start3A_835 = tpu.memref_squeeze %dma_start3A_834 : memref<1x128xi32, #tpu.memory_space<vmem>> -> memref<128xi32, #tpu.memory_space<vmem>>
      %dma_start3A_836 = arith.constant 0 : i32
      %dma_start3A_837 = arith.constant 0 : i32
      %dma_start3A_838 = tpu.memref_slice %arg2[%dma_start3A_836, %dma_start3A_837] : memref<10000x128xf32, #tpu.memory_space<hbm>> -> memref<10000x128xf32, #tpu.memory_space<hbm>>
      tpu.enqueue_indirect_dma source(%dma_start3A_838 : memref<10000x128xf32, #tpu.memory_space<hbm>>) target(%arg8 : memref<128x128xf32, #tpu.memory_space<vmem>>) offsets(%dma_start3A_835 : memref<128xi32, #tpu.memory_space<vmem>>) semaphore(%arg15 : memref<!tpu.dma_semaphore, #tpu.memory_space<semaphore_mem>>)
      %add3A_839 = arith.constant 3 : i32
      %add3A_840 = arith.addi %add3A_607, %add3A_839 : i32
      %dma_wait3A_841 = arith.constant 3 : i32
      %dma_wait3A_842 = arith.constant 0 : i32
      %dma_wait3A_843 = tpu.memref_slice %arg6[%dma_wait3A_841, %dma_wait3A_842] : memref<4x128xi32, #tpu.memory_space<vmem>> -> memref<1x128xi32, #tpu.memory_space<vmem>>
      %dma_wait3A_844 = tpu.memref_squeeze %dma_wait3A_843 : memref<1x128xi32, #tpu.memory_space<vmem>> -> memref<128xi32, #tpu.memory_space<vmem>>
      %dma_wait3A_845 = arith.constant 0 : i32
      %dma_wait3A_846 = arith.constant 0 : i32
      %dma_wait3A_847 = tpu.memref_slice %arg2[%dma_wait3A_845, %dma_wait3A_846] : memref<10000x128xf32, #tpu.memory_space<hbm>> -> memref<10000x128xf32, #tpu.memory_space<hbm>>
      tpu.wait_indirect_dma semaphore(%arg16 : memref<!tpu.dma_semaphore, #tpu.memory_space<semaphore_mem>>) src(%dma_wait3A_847 : memref<10000x128xf32, #tpu.memory_space<hbm>>) dst(%arg9 : memref<128x128xf32, #tpu.memory_space<vmem>>)
      %run_scoped3A_848 = arith.constant 3 : i32
      "tpu.region"() ({
        %run_scoped3A_916 = tpu.sem_alloc : memref<!tpu.dma_semaphore, #tpu.memory_space<semaphore_mem>>
        %dma_start3A_917 = arith.constant 0 : i32
        %dma_start3A_918 = tpu.memref_slice %arg7[%run_scoped3A_848, %dma_start3A_917] : memref<4x128xi32, #tpu.memory_space<vmem>> -> memref<1x128xi32, #tpu.memory_space<vmem>>
        %dma_start3A_919 = tpu.memref_squeeze %dma_start3A_918 : memref<1x128xi32, #tpu.memory_space<vmem>> -> memref<128xi32, #tpu.memory_space<vmem>>
        %dma_start3A_920 = arith.constant 0 : i32
        %dma_start3A_921 = arith.constant 0 : i32
        %dma_start3A_922 = tpu.memref_slice %arg10[%dma_start3A_920, %dma_start3A_921] : memref<10240x128xf32, #tpu.memory_space<vmem_shared>> -> memref<10240x128xf32, #tpu.memory_space<vmem_shared>>
        tpu.enqueue_indirect_dma source(%arg9 : memref<128x128xf32, #tpu.memory_space<vmem>>) target(%dma_start3A_922 : memref<10240x128xf32, #tpu.memory_space<vmem_shared>>) offsets(%dma_start3A_919 : memref<128xi32, #tpu.memory_space<vmem>>) semaphore(%run_scoped3A_916 : memref<!tpu.dma_semaphore, #tpu.memory_space<semaphore_mem>>) {add = true}
        %dma_wait3A_923 = arith.constant 0 : i32
        %dma_wait3A_924 = tpu.memref_slice %arg7[%run_scoped3A_848, %dma_wait3A_923] : memref<4x128xi32, #tpu.memory_space<vmem>> -> memref<1x128xi32, #tpu.memory_space<vmem>>
        %dma_wait3A_925 = tpu.memref_squeeze %dma_wait3A_924 : memref<1x128xi32, #tpu.memory_space<vmem>> -> memref<128xi32, #tpu.memory_space<vmem>>
        %dma_wait3A_926 = arith.constant 0 : i32
        %dma_wait3A_927 = arith.constant 0 : i32
        %dma_wait3A_928 = tpu.memref_slice %arg10[%dma_wait3A_926, %dma_wait3A_927] : memref<10240x128xf32, #tpu.memory_space<vmem_shared>> -> memref<10240x128xf32, #tpu.memory_space<vmem_shared>>
        tpu.wait_indirect_dma semaphore(%run_scoped3A_916 : memref<!tpu.dma_semaphore, #tpu.memory_space<semaphore_mem>>) src(%arg9 : memref<128x128xf32, #tpu.memory_space<vmem>>) dst(%dma_wait3A_928 : memref<10240x128xf32, #tpu.memory_space<vmem_shared>>)
        tpu.yield
      }) : () -> ()
      %add3A_849 = arith.constant 4 : i32
      %add3A_850 = arith.addi %add3A_840, %add3A_849 : i32
      %add3A_851 = arith.addi %mul3A_2, %add3A_850 : i32
      %dma_start3A_852 = arith.constant 3 : i32
      %dma_start3A_853 = arith.constant 0 : i32
      %dma_start3A_854 = tpu.memref_slice %arg7[%dma_start3A_852, %dma_start3A_853] : memref<4x128xi32, #tpu.memory_space<vmem>> -> memref<1x128xi32, #tpu.memory_space<vmem>>
      %dma_start3A_855 = tpu.memref_squeeze %dma_start3A_854 : memref<1x128xi32, #tpu.memory_space<vmem>> -> memref<128xi32, #tpu.memory_space<vmem>>
      %dma_start3A_856 = arith.constant 0 : i32
      %dma_start3A_857 = tpu.memref_slice %arg3[%add3A_851, %dma_start3A_856] : memref<2560x128xi32, #tpu.memory_space<hbm>> -> memref<1x128xi32, #tpu.memory_space<hbm>>
      %dma_start3A_858 = tpu.memref_squeeze %dma_start3A_857 : memref<1x128xi32, #tpu.memory_space<hbm>> -> memref<128xi32, #tpu.memory_space<hbm>>
      %dma_start3A_859 = arith.constant 0 : i32
      %dma_start3A_860 = tpu.memref_slice %arg7[%dma_start3A_852, %dma_start3A_859] : memref<4x128xi32, #tpu.memory_space<vmem>> -> memref<1x128xi32, #tpu.memory_space<vmem>>
      %dma_start3A_861 = tpu.memref_squeeze %dma_start3A_860 : memref<1x128xi32, #tpu.memory_space<vmem>> -> memref<128xi32, #tpu.memory_space<vmem>>
      %dma_start3A_862 = arith.constant 0 : i32
      %dma_start3A_863 = tpu.memref_slice %arg3[%add3A_851, %dma_start3A_862] : memref<2560x128xi32, #tpu.memory_space<hbm>> -> memref<1x128xi32, #tpu.memory_space<hbm>>
      %dma_start3A_864 = tpu.memref_squeeze %dma_start3A_863 : memref<1x128xi32, #tpu.memory_space<hbm>> -> memref<128xi32, #tpu.memory_space<hbm>>
      tpu.enqueue_dma source(%dma_start3A_864 : memref<128xi32, #tpu.memory_space<hbm>>) target(%dma_start3A_861 : memref<128xi32, #tpu.memory_space<vmem>>) target_semaphore(%arg14 : memref<!tpu.dma_semaphore, #tpu.memory_space<semaphore_mem>>)
      %add3A_865 = arith.addi %mul3A_2, %add3A_850 : i32
      %dma_start3A_866 = arith.constant 3 : i32
      %dma_start3A_867 = arith.constant 0 : i32
      %dma_start3A_868 = tpu.memref_slice %arg6[%dma_start3A_866, %dma_start3A_867] : memref<4x128xi32, #tpu.memory_space<vmem>> -> memref<1x128xi32, #tpu.memory_space<vmem>>
      %dma_start3A_869 = tpu.memref_squeeze %dma_start3A_868 : memref<1x128xi32, #tpu.memory_space<vmem>> -> memref<128xi32, #tpu.memory_space<vmem>>
      %dma_start3A_870 = arith.constant 0 : i32
      %dma_start3A_871 = tpu.memref_slice %arg4[%add3A_865, %dma_start3A_870] : memref<2560x128xi32, #tpu.memory_space<hbm>> -> memref<1x128xi32, #tpu.memory_space<hbm>>
      %dma_start3A_872 = tpu.memref_squeeze %dma_start3A_871 : memref<1x128xi32, #tpu.memory_space<hbm>> -> memref<128xi32, #tpu.memory_space<hbm>>
      %dma_start3A_873 = arith.constant 0 : i32
      %dma_start3A_874 = tpu.memref_slice %arg6[%dma_start3A_866, %dma_start3A_873] : memref<4x128xi32, #tpu.memory_space<vmem>> -> memref<1x128xi32, #tpu.memory_space<vmem>>
      %dma_start3A_875 = tpu.memref_squeeze %dma_start3A_874 : memref<1x128xi32, #tpu.memory_space<vmem>> -> memref<128xi32, #tpu.memory_space<vmem>>
      %dma_start3A_876 = arith.constant 0 : i32
      %dma_start3A_877 = tpu.memref_slice %arg4[%add3A_865, %dma_start3A_876] : memref<2560x128xi32, #tpu.memory_space<hbm>> -> memref<1x128xi32, #tpu.memory_space<hbm>>
      %dma_start3A_878 = tpu.memref_squeeze %dma_start3A_877 : memref<1x128xi32, #tpu.memory_space<hbm>> -> memref<128xi32, #tpu.memory_space<hbm>>
      tpu.enqueue_dma source(%dma_start3A_878 : memref<128xi32, #tpu.memory_space<hbm>>) target(%dma_start3A_875 : memref<128xi32, #tpu.memory_space<vmem>>) target_semaphore(%arg14 : memref<!tpu.dma_semaphore, #tpu.memory_space<semaphore_mem>>)
      %add3A_879 = arith.constant 2 : i32
      %add3A_880 = arith.addi %add3A_840, %add3A_879 : i32
      %dma_wait3A_881 = arith.constant 0 : i32
      %dma_wait3A_882 = arith.constant 1 : i32
      %dma_wait3A_883 = arith.constant 0 : i32
      %dma_wait3A_884 = tpu.memref_slice %arg7[%dma_wait3A_882, %dma_wait3A_883] : memref<4x128xi32, #tpu.memory_space<vmem>> -> memref<1x128xi32, #tpu.memory_space<vmem>>
      %dma_wait3A_885 = tpu.memref_squeeze %dma_wait3A_884 : memref<1x128xi32, #tpu.memory_space<vmem>> -> memref<128xi32, #tpu.memory_space<vmem>>
      %dma_wait3A_886 = arith.constant 0 : i32
      %dma_wait3A_887 = tpu.memref_slice %arg3[%dma_wait3A_881, %dma_wait3A_886] : memref<2560x128xi32, #tpu.memory_space<hbm>> -> memref<1x128xi32, #tpu.memory_space<hbm>>
      %dma_wait3A_888 = tpu.memref_squeeze %dma_wait3A_887 : memref<1x128xi32, #tpu.memory_space<hbm>> -> memref<128xi32, #tpu.memory_space<hbm>>
      %dma_wait3A_889 = arith.constant 0 : i32
      %dma_wait3A_890 = tpu.memref_slice %arg7[%dma_wait3A_882, %dma_wait3A_889] : memref<4x128xi32, #tpu.memory_space<vmem>> -> memref<1x128xi32, #tpu.memory_space<vmem>>
      %dma_wait3A_891 = tpu.memref_squeeze %dma_wait3A_890 : memref<1x128xi32, #tpu.memory_space<vmem>> -> memref<128xi32, #tpu.memory_space<vmem>>
      %dma_wait3A_892 = arith.constant 0 : i32
      %dma_wait3A_893 = tpu.memref_slice %arg3[%dma_wait3A_881, %dma_wait3A_892] : memref<2560x128xi32, #tpu.memory_space<hbm>> -> memref<1x128xi32, #tpu.memory_space<hbm>>
      %dma_wait3A_894 = tpu.memref_squeeze %dma_wait3A_893 : memref<1x128xi32, #tpu.memory_space<hbm>> -> memref<128xi32, #tpu.memory_space<hbm>>
      tpu.wait_dma2 semaphore(%arg12 : memref<!tpu.dma_semaphore, #tpu.memory_space<semaphore_mem>>) src(%dma_wait3A_894 : memref<128xi32, #tpu.memory_space<hbm>>) dst(%dma_wait3A_891 : memref<128xi32, #tpu.memory_space<vmem>>)
      %dma_wait3A_895 = arith.constant 0 : i32
      %dma_wait3A_896 = arith.constant 1 : i32
      %dma_wait3A_897 = arith.constant 0 : i32
      %dma_wait3A_898 = tpu.memref_slice %arg6[%dma_wait3A_896, %dma_wait3A_897] : memref<4x128xi32, #tpu.memory_space<vmem>> -> memref<1x128xi32, #tpu.memory_space<vmem>>
      %dma_wait3A_899 = tpu.memref_squeeze %dma_wait3A_898 : memref<1x128xi32, #tpu.memory_space<vmem>> -> memref<128xi32, #tpu.memory_space<vmem>>
      %dma_wait3A_900 = arith.constant 0 : i32
      %dma_wait3A_901 = tpu.memref_slice %arg4[%dma_wait3A_895, %dma_wait3A_900] : memref<2560x128xi32, #tpu.memory_space<hbm>> -> memref<1x128xi32, #tpu.memory_space<hbm>>
      %dma_wait3A_902 = tpu.memref_squeeze %dma_wait3A_901 : memref<1x128xi32, #tpu.memory_space<hbm>> -> memref<128xi32, #tpu.memory_space<hbm>>
      %dma_wait3A_903 = arith.constant 0 : i32
      %dma_wait3A_904 = tpu.memref_slice %arg6[%dma_wait3A_896, %dma_wait3A_903] : memref<4x128xi32, #tpu.memory_space<vmem>> -> memref<1x128xi32, #tpu.memory_space<vmem>>
      %dma_wait3A_905 = tpu.memref_squeeze %dma_wait3A_904 : memref<1x128xi32, #tpu.memory_space<vmem>> -> memref<128xi32, #tpu.memory_space<vmem>>
      %dma_wait3A_906 = arith.constant 0 : i32
      %dma_wait3A_907 = tpu.memref_slice %arg4[%dma_wait3A_895, %dma_wait3A_906] : memref<2560x128xi32, #tpu.memory_space<hbm>> -> memref<1x128xi32, #tpu.memory_space<hbm>>
      %dma_wait3A_908 = tpu.memref_squeeze %dma_wait3A_907 : memref<1x128xi32, #tpu.memory_space<hbm>> -> memref<128xi32, #tpu.memory_space<hbm>>
      tpu.wait_dma2 semaphore(%arg12 : memref<!tpu.dma_semaphore, #tpu.memory_space<semaphore_mem>>) src(%dma_wait3A_908 : memref<128xi32, #tpu.memory_space<hbm>>) dst(%dma_wait3A_905 : memref<128xi32, #tpu.memory_space<vmem>>)
      %dma_start3A_909 = arith.constant 1 : i32
      %dma_start3A_910 = arith.constant 0 : i32
      %dma_start3A_911 = tpu.memref_slice %arg6[%dma_start3A_909, %dma_start3A_910] : memref<4x128xi32, #tpu.memory_space<vmem>> -> memref<1x128xi32, #tpu.memory_space<vmem>>
      %dma_start3A_912 = tpu.memref_squeeze %dma_start3A_911 : memref<1x128xi32, #tpu.memory_space<vmem>> -> memref<128xi32, #tpu.memory_space<vmem>>
      %dma_start3A_913 = arith.constant 0 : i32
      %dma_start3A_914 = arith.constant 0 : i32
      %dma_start3A_915 = tpu.memref_slice %arg2[%dma_start3A_913, %dma_start3A_914] : memref<10000x128xf32, #tpu.memory_space<hbm>> -> memref<10000x128xf32, #tpu.memory_space<hbm>>
      tpu.enqueue_indirect_dma source(%dma_start3A_915 : memref<10000x128xf32, #tpu.memory_space<hbm>>) target(%arg9 : memref<128x128xf32, #tpu.memory_space<vmem>>) offsets(%dma_start3A_912 : memref<128xi32, #tpu.memory_space<vmem>>) semaphore(%arg16 : memref<!tpu.dma_semaphore, #tpu.memory_space<semaphore_mem>>)
    }
    %scan3A_204 = arith.constant 18 : i32
    %dma_wait3A_205 = arith.constant 0 : i32
    %dma_wait3A_206 = arith.constant 0 : i32
    %dma_wait3A_207 = tpu.memref_slice %arg6[%dma_wait3A_205, %dma_wait3A_206] : memref<4x128xi32, #tpu.memory_space<vmem>> -> memref<1x128xi32, #tpu.memory_space<vmem>>
    %dma_wait3A_208 = tpu.memref_squeeze %dma_wait3A_207 : memref<1x128xi32, #tpu.memory_space<vmem>> -> memref<128xi32, #tpu.memory_space<vmem>>
    %dma_wait3A_209 = arith.constant 0 : i32
    %dma_wait3A_210 = arith.constant 0 : i32
    %dma_wait3A_211 = tpu.memref_slice %arg2[%dma_wait3A_209, %dma_wait3A_210] : memref<10000x128xf32, #tpu.memory_space<hbm>> -> memref<10000x128xf32, #tpu.memory_space<hbm>>
    tpu.wait_indirect_dma semaphore(%arg15 : memref<!tpu.dma_semaphore, #tpu.memory_space<semaphore_mem>>) src(%dma_wait3A_211 : memref<10000x128xf32, #tpu.memory_space<hbm>>) dst(%arg8 : memref<128x128xf32, #tpu.memory_space<vmem>>)
    %run_scoped3A = arith.constant 0 : i32
    "tpu.region"() ({
      %run_scoped3A_603 = tpu.sem_alloc : memref<!tpu.dma_semaphore, #tpu.memory_space<semaphore_mem>>
      %dma_start3A_604 = arith.constant 0 : i32
      %dma_start3A_605 = tpu.memref_slice %arg7[%run_scoped3A, %dma_start3A_604] : memref<4x128xi32, #tpu.memory_space<vmem>> -> memref<1x128xi32, #tpu.memory_space<vmem>>
      %dma_start3A_606 = tpu.memref_squeeze %dma_start3A_605 : memref<1x128xi32, #tpu.memory_space<vmem>> -> memref<128xi32, #tpu.memory_space<vmem>>
      %dma_start3A_607 = arith.constant 0 : i32
      %dma_start3A_608 = arith.constant 0 : i32
      %dma_start3A_609 = tpu.memref_slice %arg10[%dma_start3A_607, %dma_start3A_608] : memref<10240x128xf32, #tpu.memory_space<vmem_shared>> -> memref<10240x128xf32, #tpu.memory_space<vmem_shared>>
      tpu.enqueue_indirect_dma source(%arg8 : memref<128x128xf32, #tpu.memory_space<vmem>>) target(%dma_start3A_609 : memref<10240x128xf32, #tpu.memory_space<vmem_shared>>) offsets(%dma_start3A_606 : memref<128xi32, #tpu.memory_space<vmem>>) semaphore(%run_scoped3A_603 : memref<!tpu.dma_semaphore, #tpu.memory_space<semaphore_mem>>) {add = true}
      %dma_wait3A_610 = arith.constant 0 : i32
      %dma_wait3A_611 = tpu.memref_slice %arg7[%run_scoped3A, %dma_wait3A_610] : memref<4x128xi32, #tpu.memory_space<vmem>> -> memref<1x128xi32, #tpu.memory_space<vmem>>
      %dma_wait3A_612 = tpu.memref_squeeze %dma_wait3A_611 : memref<1x128xi32, #tpu.memory_space<vmem>> -> memref<128xi32, #tpu.memory_space<vmem>>
      %dma_wait3A_613 = arith.constant 0 : i32
      %dma_wait3A_614 = arith.constant 0 : i32
      %dma_wait3A_615 = tpu.memref_slice %arg10[%dma_wait3A_613, %dma_wait3A_614] : memref<10240x128xf32, #tpu.memory_space<vmem_shared>> -> memref<10240x128xf32, #tpu.memory_space<vmem_shared>>
      tpu.wait_indirect_dma semaphore(%run_scoped3A_603 : memref<!tpu.dma_semaphore, #tpu.memory_space<semaphore_mem>>) src(%arg8 : memref<128x128xf32, #tpu.memory_space<vmem>>) dst(%dma_wait3A_615 : memref<10240x128xf32, #tpu.memory_space<vmem_shared>>)
      tpu.yield
    }) : () -> ()
    %add3A_212 = arith.constant 76 : i32
    %add3A_213 = arith.addi %mul3A_2, %add3A_212 : i32
    %dma_start3A_214 = arith.constant 0 : i32
    %dma_start3A_215 = arith.constant 0 : i32
    %dma_start3A_216 = tpu.memref_slice %arg7[%dma_start3A_214, %dma_start3A_215] : memref<4x128xi32, #tpu.memory_space<vmem>> -> memref<1x128xi32, #tpu.memory_space<vmem>>
    %dma_start3A_217 = tpu.memref_squeeze %dma_start3A_216 : memref<1x128xi32, #tpu.memory_space<vmem>> -> memref<128xi32, #tpu.memory_space<vmem>>
    %dma_start3A_218 = arith.constant 0 : i32
    %dma_start3A_219 = tpu.memref_slice %arg3[%add3A_213, %dma_start3A_218] : memref<2560x128xi32, #tpu.memory_space<hbm>> -> memref<1x128xi32, #tpu.memory_space<hbm>>
    %dma_start3A_220 = tpu.memref_squeeze %dma_start3A_219 : memref<1x128xi32, #tpu.memory_space<hbm>> -> memref<128xi32, #tpu.memory_space<hbm>>
    %dma_start3A_221 = arith.constant 0 : i32
    %dma_start3A_222 = tpu.memref_slice %arg7[%dma_start3A_214, %dma_start3A_221] : memref<4x128xi32, #tpu.memory_space<vmem>> -> memref<1x128xi32, #tpu.memory_space<vmem>>
    %dma_start3A_223 = tpu.memref_squeeze %dma_start3A_222 : memref<1x128xi32, #tpu.memory_space<vmem>> -> memref<128xi32, #tpu.memory_space<vmem>>
    %dma_start3A_224 = arith.constant 0 : i32
    %dma_start3A_225 = tpu.memref_slice %arg3[%add3A_213, %dma_start3A_224] : memref<2560x128xi32, #tpu.memory_space<hbm>> -> memref<1x128xi32, #tpu.memory_space<hbm>>
    %dma_start3A_226 = tpu.memref_squeeze %dma_start3A_225 : memref<1x128xi32, #tpu.memory_space<hbm>> -> memref<128xi32, #tpu.memory_space<hbm>>
    tpu.enqueue_dma source(%dma_start3A_226 : memref<128xi32, #tpu.memory_space<hbm>>) target(%dma_start3A_223 : memref<128xi32, #tpu.memory_space<vmem>>) target_semaphore(%arg11 : memref<!tpu.dma_semaphore, #tpu.memory_space<semaphore_mem>>)
    %add3A_227 = arith.constant 76 : i32
    %add3A_228 = arith.addi %mul3A_2, %add3A_227 : i32
    %dma_start3A_229 = arith.constant 0 : i32
    %dma_start3A_230 = arith.constant 0 : i32
    %dma_start3A_231 = tpu.memref_slice %arg6[%dma_start3A_229, %dma_start3A_230] : memref<4x128xi32, #tpu.memory_space<vmem>> -> memref<1x128xi32, #tpu.memory_space<vmem>>
    %dma_start3A_232 = tpu.memref_squeeze %dma_start3A_231 : memref<1x128xi32, #tpu.memory_space<vmem>> -> memref<128xi32, #tpu.memory_space<vmem>>
    %dma_start3A_233 = arith.constant 0 : i32
    %dma_start3A_234 = tpu.memref_slice %arg4[%add3A_228, %dma_start3A_233] : memref<2560x128xi32, #tpu.memory_space<hbm>> -> memref<1x128xi32, #tpu.memory_space<hbm>>
    %dma_start3A_235 = tpu.memref_squeeze %dma_start3A_234 : memref<1x128xi32, #tpu.memory_space<hbm>> -> memref<128xi32, #tpu.memory_space<hbm>>
    %dma_start3A_236 = arith.constant 0 : i32
    %dma_start3A_237 = tpu.memref_slice %arg6[%dma_start3A_229, %dma_start3A_236] : memref<4x128xi32, #tpu.memory_space<vmem>> -> memref<1x128xi32, #tpu.memory_space<vmem>>
    %dma_start3A_238 = tpu.memref_squeeze %dma_start3A_237 : memref<1x128xi32, #tpu.memory_space<vmem>> -> memref<128xi32, #tpu.memory_space<vmem>>
    %dma_start3A_239 = arith.constant 0 : i32
    %dma_start3A_240 = tpu.memref_slice %arg4[%add3A_228, %dma_start3A_239] : memref<2560x128xi32, #tpu.memory_space<hbm>> -> memref<1x128xi32, #tpu.memory_space<hbm>>
    %dma_start3A_241 = tpu.memref_squeeze %dma_start3A_240 : memref<1x128xi32, #tpu.memory_space<hbm>> -> memref<128xi32, #tpu.memory_space<hbm>>
    tpu.enqueue_dma source(%dma_start3A_241 : memref<128xi32, #tpu.memory_space<hbm>>) target(%dma_start3A_238 : memref<128xi32, #tpu.memory_space<vmem>>) target_semaphore(%arg11 : memref<!tpu.dma_semaphore, #tpu.memory_space<semaphore_mem>>)
    %dma_wait3A_242 = arith.constant 0 : i32
    %dma_wait3A_243 = arith.constant 2 : i32
    %dma_wait3A_244 = arith.constant 0 : i32
    %dma_wait3A_245 = tpu.memref_slice %arg7[%dma_wait3A_243, %dma_wait3A_244] : memref<4x128xi32, #tpu.memory_space<vmem>> -> memref<1x128xi32, #tpu.memory_space<vmem>>
    %dma_wait3A_246 = tpu.memref_squeeze %dma_wait3A_245 : memref<1x128xi32, #tpu.memory_space<vmem>> -> memref<128xi32, #tpu.memory_space<vmem>>
    %dma_wait3A_247 = arith.constant 0 : i32
    %dma_wait3A_248 = tpu.memref_slice %arg3[%dma_wait3A_242, %dma_wait3A_247] : memref<2560x128xi32, #tpu.memory_space<hbm>> -> memref<1x128xi32, #tpu.memory_space<hbm>>
    %dma_wait3A_249 = tpu.memref_squeeze %dma_wait3A_248 : memref<1x128xi32, #tpu.memory_space<hbm>> -> memref<128xi32, #tpu.memory_space<hbm>>
    %dma_wait3A_250 = arith.constant 0 : i32
    %dma_wait3A_251 = tpu.memref_slice %arg7[%dma_wait3A_243, %dma_wait3A_250] : memref<4x128xi32, #tpu.memory_space<vmem>> -> memref<1x128xi32, #tpu.memory_space<vmem>>
    %dma_wait3A_252 = tpu.memref_squeeze %dma_wait3A_251 : memref<1x128xi32, #tpu.memory_space<vmem>> -> memref<128xi32, #tpu.memory_space<vmem>>
    %dma_wait3A_253 = arith.constant 0 : i32
    %dma_wait3A_254 = tpu.memref_slice %arg3[%dma_wait3A_242, %dma_wait3A_253] : memref<2560x128xi32, #tpu.memory_space<hbm>> -> memref<1x128xi32, #tpu.memory_space<hbm>>
    %dma_wait3A_255 = tpu.memref_squeeze %dma_wait3A_254 : memref<1x128xi32, #tpu.memory_space<hbm>> -> memref<128xi32, #tpu.memory_space<hbm>>
    tpu.wait_dma2 semaphore(%arg13 : memref<!tpu.dma_semaphore, #tpu.memory_space<semaphore_mem>>) src(%dma_wait3A_255 : memref<128xi32, #tpu.memory_space<hbm>>) dst(%dma_wait3A_252 : memref<128xi32, #tpu.memory_space<vmem>>)
    %dma_wait3A_256 = arith.constant 0 : i32
    %dma_wait3A_257 = arith.constant 2 : i32
    %dma_wait3A_258 = arith.constant 0 : i32
    %dma_wait3A_259 = tpu.memref_slice %arg6[%dma_wait3A_257, %dma_wait3A_258] : memref<4x128xi32, #tpu.memory_space<vmem>> -> memref<1x128xi32, #tpu.memory_space<vmem>>
    %dma_wait3A_260 = tpu.memref_squeeze %dma_wait3A_259 : memref<1x128xi32, #tpu.memory_space<vmem>> -> memref<128xi32, #tpu.memory_space<vmem>>
    %dma_wait3A_261 = arith.constant 0 : i32
    %dma_wait3A_262 = tpu.memref_slice %arg4[%dma_wait3A_256, %dma_wait3A_261] : memref<2560x128xi32, #tpu.memory_space<hbm>> -> memref<1x128xi32, #tpu.memory_space<hbm>>
    %dma_wait3A_263 = tpu.memref_squeeze %dma_wait3A_262 : memref<1x128xi32, #tpu.memory_space<hbm>> -> memref<128xi32, #tpu.memory_space<hbm>>
    %dma_wait3A_264 = arith.constant 0 : i32
    %dma_wait3A_265 = tpu.memref_slice %arg6[%dma_wait3A_257, %dma_wait3A_264] : memref<4x128xi32, #tpu.memory_space<vmem>> -> memref<1x128xi32, #tpu.memory_space<vmem>>
    %dma_wait3A_266 = tpu.memref_squeeze %dma_wait3A_265 : memref<1x128xi32, #tpu.memory_space<vmem>> -> memref<128xi32, #tpu.memory_space<vmem>>
    %dma_wait3A_267 = arith.constant 0 : i32
    %dma_wait3A_268 = tpu.memref_slice %arg4[%dma_wait3A_256, %dma_wait3A_267] : memref<2560x128xi32, #tpu.memory_space<hbm>> -> memref<1x128xi32, #tpu.memory_space<hbm>>
    %dma_wait3A_269 = tpu.memref_squeeze %dma_wait3A_268 : memref<1x128xi32, #tpu.memory_space<hbm>> -> memref<128xi32, #tpu.memory_space<hbm>>
    tpu.wait_dma2 semaphore(%arg13 : memref<!tpu.dma_semaphore, #tpu.memory_space<semaphore_mem>>) src(%dma_wait3A_269 : memref<128xi32, #tpu.memory_space<hbm>>) dst(%dma_wait3A_266 : memref<128xi32, #tpu.memory_space<vmem>>)
    %dma_start3A_270 = arith.constant 2 : i32
    %dma_start3A_271 = arith.constant 0 : i32
    %dma_start3A_272 = tpu.memref_slice %arg6[%dma_start3A_270, %dma_start3A_271] : memref<4x128xi32, #tpu.memory_space<vmem>> -> memref<1x128xi32, #tpu.memory_space<vmem>>
    %dma_start3A_273 = tpu.memref_squeeze %dma_start3A_272 : memref<1x128xi32, #tpu.memory_space<vmem>> -> memref<128xi32, #tpu.memory_space<vmem>>
    %dma_start3A_274 = arith.constant 0 : i32
    %dma_start3A_275 = arith.constant 0 : i32
    %dma_start3A_276 = tpu.memref_slice %arg2[%dma_start3A_274, %dma_start3A_275] : memref<10000x128xf32, #tpu.memory_space<hbm>> -> memref<10000x128xf32, #tpu.memory_space<hbm>>
    tpu.enqueue_indirect_dma source(%dma_start3A_276 : memref<10000x128xf32, #tpu.memory_space<hbm>>) target(%arg8 : memref<128x128xf32, #tpu.memory_space<vmem>>) offsets(%dma_start3A_273 : memref<128xi32, #tpu.memory_space<vmem>>) semaphore(%arg15 : memref<!tpu.dma_semaphore, #tpu.memory_space<semaphore_mem>>)
    %dma_wait3A_277 = arith.constant 1 : i32
    %dma_wait3A_278 = arith.constant 0 : i32
    %dma_wait3A_279 = tpu.memref_slice %arg6[%dma_wait3A_277, %dma_wait3A_278] : memref<4x128xi32, #tpu.memory_space<vmem>> -> memref<1x128xi32, #tpu.memory_space<vmem>>
    %dma_wait3A_280 = tpu.memref_squeeze %dma_wait3A_279 : memref<1x128xi32, #tpu.memory_space<vmem>> -> memref<128xi32, #tpu.memory_space<vmem>>
    %dma_wait3A_281 = arith.constant 0 : i32
    %dma_wait3A_282 = arith.constant 0 : i32
    %dma_wait3A_283 = tpu.memref_slice %arg2[%dma_wait3A_281, %dma_wait3A_282] : memref<10000x128xf32, #tpu.memory_space<hbm>> -> memref<10000x128xf32, #tpu.memory_space<hbm>>
    tpu.wait_indirect_dma semaphore(%arg16 : memref<!tpu.dma_semaphore, #tpu.memory_space<semaphore_mem>>) src(%dma_wait3A_283 : memref<10000x128xf32, #tpu.memory_space<hbm>>) dst(%arg9 : memref<128x128xf32, #tpu.memory_space<vmem>>)
    %run_scoped3A_284 = arith.constant 1 : i32
    "tpu.region"() ({
      %run_scoped3A_603 = tpu.sem_alloc : memref<!tpu.dma_semaphore, #tpu.memory_space<semaphore_mem>>
      %dma_start3A_604 = arith.constant 0 : i32
      %dma_start3A_605 = tpu.memref_slice %arg7[%run_scoped3A_284, %dma_start3A_604] : memref<4x128xi32, #tpu.memory_space<vmem>> -> memref<1x128xi32, #tpu.memory_space<vmem>>
      %dma_start3A_606 = tpu.memref_squeeze %dma_start3A_605 : memref<1x128xi32, #tpu.memory_space<vmem>> -> memref<128xi32, #tpu.memory_space<vmem>>
      %dma_start3A_607 = arith.constant 0 : i32
      %dma_start3A_608 = arith.constant 0 : i32
      %dma_start3A_609 = tpu.memref_slice %arg10[%dma_start3A_607, %dma_start3A_608] : memref<10240x128xf32, #tpu.memory_space<vmem_shared>> -> memref<10240x128xf32, #tpu.memory_space<vmem_shared>>
      tpu.enqueue_indirect_dma source(%arg9 : memref<128x128xf32, #tpu.memory_space<vmem>>) target(%dma_start3A_609 : memref<10240x128xf32, #tpu.memory_space<vmem_shared>>) offsets(%dma_start3A_606 : memref<128xi32, #tpu.memory_space<vmem>>) semaphore(%run_scoped3A_603 : memref<!tpu.dma_semaphore, #tpu.memory_space<semaphore_mem>>) {add = true}
      %dma_wait3A_610 = arith.constant 0 : i32
      %dma_wait3A_611 = tpu.memref_slice %arg7[%run_scoped3A_284, %dma_wait3A_610] : memref<4x128xi32, #tpu.memory_space<vmem>> -> memref<1x128xi32, #tpu.memory_space<vmem>>
      %dma_wait3A_612 = tpu.memref_squeeze %dma_wait3A_611 : memref<1x128xi32, #tpu.memory_space<vmem>> -> memref<128xi32, #tpu.memory_space<vmem>>
      %dma_wait3A_613 = arith.constant 0 : i32
      %dma_wait3A_614 = arith.constant 0 : i32
      %dma_wait3A_615 = tpu.memref_slice %arg10[%dma_wait3A_613, %dma_wait3A_614] : memref<10240x128xf32, #tpu.memory_space<vmem_shared>> -> memref<10240x128xf32, #tpu.memory_space<vmem_shared>>
      tpu.wait_indirect_dma semaphore(%run_scoped3A_603 : memref<!tpu.dma_semaphore, #tpu.memory_space<semaphore_mem>>) src(%arg9 : memref<128x128xf32, #tpu.memory_space<vmem>>) dst(%dma_wait3A_615 : memref<10240x128xf32, #tpu.memory_space<vmem_shared>>)
      tpu.yield
    }) : () -> ()
    %add3A_285 = arith.constant 77 : i32
    %add3A_286 = arith.addi %mul3A_2, %add3A_285 : i32
    %dma_start3A_287 = arith.constant 1 : i32
    %dma_start3A_288 = arith.constant 0 : i32
    %dma_start3A_289 = tpu.memref_slice %arg7[%dma_start3A_287, %dma_start3A_288] : memref<4x128xi32, #tpu.memory_space<vmem>> -> memref<1x128xi32, #tpu.memory_space<vmem>>
    %dma_start3A_290 = tpu.memref_squeeze %dma_start3A_289 : memref<1x128xi32, #tpu.memory_space<vmem>> -> memref<128xi32, #tpu.memory_space<vmem>>
    %dma_start3A_291 = arith.constant 0 : i32
    %dma_start3A_292 = tpu.memref_slice %arg3[%add3A_286, %dma_start3A_291] : memref<2560x128xi32, #tpu.memory_space<hbm>> -> memref<1x128xi32, #tpu.memory_space<hbm>>
    %dma_start3A_293 = tpu.memref_squeeze %dma_start3A_292 : memref<1x128xi32, #tpu.memory_space<hbm>> -> memref<128xi32, #tpu.memory_space<hbm>>
    %dma_start3A_294 = arith.constant 0 : i32
    %dma_start3A_295 = tpu.memref_slice %arg7[%dma_start3A_287, %dma_start3A_294] : memref<4x128xi32, #tpu.memory_space<vmem>> -> memref<1x128xi32, #tpu.memory_space<vmem>>
    %dma_start3A_296 = tpu.memref_squeeze %dma_start3A_295 : memref<1x128xi32, #tpu.memory_space<vmem>> -> memref<128xi32, #tpu.memory_space<vmem>>
    %dma_start3A_297 = arith.constant 0 : i32
    %dma_start3A_298 = tpu.memref_slice %arg3[%add3A_286, %dma_start3A_297] : memref<2560x128xi32, #tpu.memory_space<hbm>> -> memref<1x128xi32, #tpu.memory_space<hbm>>
    %dma_start3A_299 = tpu.memref_squeeze %dma_start3A_298 : memref<1x128xi32, #tpu.memory_space<hbm>> -> memref<128xi32, #tpu.memory_space<hbm>>
    tpu.enqueue_dma source(%dma_start3A_299 : memref<128xi32, #tpu.memory_space<hbm>>) target(%dma_start3A_296 : memref<128xi32, #tpu.memory_space<vmem>>) target_semaphore(%arg12 : memref<!tpu.dma_semaphore, #tpu.memory_space<semaphore_mem>>)
    %add3A_300 = arith.constant 77 : i32
    %add3A_301 = arith.addi %mul3A_2, %add3A_300 : i32
    %dma_start3A_302 = arith.constant 1 : i32
    %dma_start3A_303 = arith.constant 0 : i32
    %dma_start3A_304 = tpu.memref_slice %arg6[%dma_start3A_302, %dma_start3A_303] : memref<4x128xi32, #tpu.memory_space<vmem>> -> memref<1x128xi32, #tpu.memory_space<vmem>>
    %dma_start3A_305 = tpu.memref_squeeze %dma_start3A_304 : memref<1x128xi32, #tpu.memory_space<vmem>> -> memref<128xi32, #tpu.memory_space<vmem>>
    %dma_start3A_306 = arith.constant 0 : i32
    %dma_start3A_307 = tpu.memref_slice %arg4[%add3A_301, %dma_start3A_306] : memref<2560x128xi32, #tpu.memory_space<hbm>> -> memref<1x128xi32, #tpu.memory_space<hbm>>
    %dma_start3A_308 = tpu.memref_squeeze %dma_start3A_307 : memref<1x128xi32, #tpu.memory_space<hbm>> -> memref<128xi32, #tpu.memory_space<hbm>>
    %dma_start3A_309 = arith.constant 0 : i32
    %dma_start3A_310 = tpu.memref_slice %arg6[%dma_start3A_302, %dma_start3A_309] : memref<4x128xi32, #tpu.memory_space<vmem>> -> memref<1x128xi32, #tpu.memory_space<vmem>>
    %dma_start3A_311 = tpu.memref_squeeze %dma_start3A_310 : memref<1x128xi32, #tpu.memory_space<vmem>> -> memref<128xi32, #tpu.memory_space<vmem>>
    %dma_start3A_312 = arith.constant 0 : i32
    %dma_start3A_313 = tpu.memref_slice %arg4[%add3A_301, %dma_start3A_312] : memref<2560x128xi32, #tpu.memory_space<hbm>> -> memref<1x128xi32, #tpu.memory_space<hbm>>
    %dma_start3A_314 = tpu.memref_squeeze %dma_start3A_313 : memref<1x128xi32, #tpu.memory_space<hbm>> -> memref<128xi32, #tpu.memory_space<hbm>>
    tpu.enqueue_dma source(%dma_start3A_314 : memref<128xi32, #tpu.memory_space<hbm>>) target(%dma_start3A_311 : memref<128xi32, #tpu.memory_space<vmem>>) target_semaphore(%arg12 : memref<!tpu.dma_semaphore, #tpu.memory_space<semaphore_mem>>)
    %dma_wait3A_315 = arith.constant 0 : i32
    %dma_wait3A_316 = arith.constant 3 : i32
    %dma_wait3A_317 = arith.constant 0 : i32
    %dma_wait3A_318 = tpu.memref_slice %arg7[%dma_wait3A_316, %dma_wait3A_317] : memref<4x128xi32, #tpu.memory_space<vmem>> -> memref<1x128xi32, #tpu.memory_space<vmem>>
    %dma_wait3A_319 = tpu.memref_squeeze %dma_wait3A_318 : memref<1x128xi32, #tpu.memory_space<vmem>> -> memref<128xi32, #tpu.memory_space<vmem>>
    %dma_wait3A_320 = arith.constant 0 : i32
    %dma_wait3A_321 = tpu.memref_slice %arg3[%dma_wait3A_315, %dma_wait3A_320] : memref<2560x128xi32, #tpu.memory_space<hbm>> -> memref<1x128xi32, #tpu.memory_space<hbm>>
    %dma_wait3A_322 = tpu.memref_squeeze %dma_wait3A_321 : memref<1x128xi32, #tpu.memory_space<hbm>> -> memref<128xi32, #tpu.memory_space<hbm>>
    %dma_wait3A_323 = arith.constant 0 : i32
    %dma_wait3A_324 = tpu.memref_slice %arg7[%dma_wait3A_316, %dma_wait3A_323] : memref<4x128xi32, #tpu.memory_space<vmem>> -> memref<1x128xi32, #tpu.memory_space<vmem>>
    %dma_wait3A_325 = tpu.memref_squeeze %dma_wait3A_324 : memref<1x128xi32, #tpu.memory_space<vmem>> -> memref<128xi32, #tpu.memory_space<vmem>>
    %dma_wait3A_326 = arith.constant 0 : i32
    %dma_wait3A_327 = tpu.memref_slice %arg3[%dma_wait3A_315, %dma_wait3A_326] : memref<2560x128xi32, #tpu.memory_space<hbm>> -> memref<1x128xi32, #tpu.memory_space<hbm>>
    %dma_wait3A_328 = tpu.memref_squeeze %dma_wait3A_327 : memref<1x128xi32, #tpu.memory_space<hbm>> -> memref<128xi32, #tpu.memory_space<hbm>>
    tpu.wait_dma2 semaphore(%arg14 : memref<!tpu.dma_semaphore, #tpu.memory_space<semaphore_mem>>) src(%dma_wait3A_328 : memref<128xi32, #tpu.memory_space<hbm>>) dst(%dma_wait3A_325 : memref<128xi32, #tpu.memory_space<vmem>>)
    %dma_wait3A_329 = arith.constant 0 : i32
    %dma_wait3A_330 = arith.constant 3 : i32
    %dma_wait3A_331 = arith.constant 0 : i32
    %dma_wait3A_332 = tpu.memref_slice %arg6[%dma_wait3A_330, %dma_wait3A_331] : memref<4x128xi32, #tpu.memory_space<vmem>> -> memref<1x128xi32, #tpu.memory_space<vmem>>
    %dma_wait3A_333 = tpu.memref_squeeze %dma_wait3A_332 : memref<1x128xi32, #tpu.memory_space<vmem>> -> memref<128xi32, #tpu.memory_space<vmem>>
    %dma_wait3A_334 = arith.constant 0 : i32
    %dma_wait3A_335 = tpu.memref_slice %arg4[%dma_wait3A_329, %dma_wait3A_334] : memref<2560x128xi32, #tpu.memory_space<hbm>> -> memref<1x128xi32, #tpu.memory_space<hbm>>
    %dma_wait3A_336 = tpu.memref_squeeze %dma_wait3A_335 : memref<1x128xi32, #tpu.memory_space<hbm>> -> memref<128xi32, #tpu.memory_space<hbm>>
    %dma_wait3A_337 = arith.constant 0 : i32
    %dma_wait3A_338 = tpu.memref_slice %arg6[%dma_wait3A_330, %dma_wait3A_337] : memref<4x128xi32, #tpu.memory_space<vmem>> -> memref<1x128xi32, #tpu.memory_space<vmem>>
    %dma_wait3A_339 = tpu.memref_squeeze %dma_wait3A_338 : memref<1x128xi32, #tpu.memory_space<vmem>> -> memref<128xi32, #tpu.memory_space<vmem>>
    %dma_wait3A_340 = arith.constant 0 : i32
    %dma_wait3A_341 = tpu.memref_slice %arg4[%dma_wait3A_329, %dma_wait3A_340] : memref<2560x128xi32, #tpu.memory_space<hbm>> -> memref<1x128xi32, #tpu.memory_space<hbm>>
    %dma_wait3A_342 = tpu.memref_squeeze %dma_wait3A_341 : memref<1x128xi32, #tpu.memory_space<hbm>> -> memref<128xi32, #tpu.memory_space<hbm>>
    tpu.wait_dma2 semaphore(%arg14 : memref<!tpu.dma_semaphore, #tpu.memory_space<semaphore_mem>>) src(%dma_wait3A_342 : memref<128xi32, #tpu.memory_space<hbm>>) dst(%dma_wait3A_339 : memref<128xi32, #tpu.memory_space<vmem>>)
    %dma_start3A_343 = arith.constant 3 : i32
    %dma_start3A_344 = arith.constant 0 : i32
    %dma_start3A_345 = tpu.memref_slice %arg6[%dma_start3A_343, %dma_start3A_344] : memref<4x128xi32, #tpu.memory_space<vmem>> -> memref<1x128xi32, #tpu.memory_space<vmem>>
    %dma_start3A_346 = tpu.memref_squeeze %dma_start3A_345 : memref<1x128xi32, #tpu.memory_space<vmem>> -> memref<128xi32, #tpu.memory_space<vmem>>
    %dma_start3A_347 = arith.constant 0 : i32
    %dma_start3A_348 = arith.constant 0 : i32
    %dma_start3A_349 = tpu.memref_slice %arg2[%dma_start3A_347, %dma_start3A_348] : memref<10000x128xf32, #tpu.memory_space<hbm>> -> memref<10000x128xf32, #tpu.memory_space<hbm>>
    tpu.enqueue_indirect_dma source(%dma_start3A_349 : memref<10000x128xf32, #tpu.memory_space<hbm>>) target(%arg9 : memref<128x128xf32, #tpu.memory_space<vmem>>) offsets(%dma_start3A_346 : memref<128xi32, #tpu.memory_space<vmem>>) semaphore(%arg16 : memref<!tpu.dma_semaphore, #tpu.memory_space<semaphore_mem>>)
    %dma_wait3A_350 = arith.constant 2 : i32
    %dma_wait3A_351 = arith.constant 0 : i32
    %dma_wait3A_352 = tpu.memref_slice %arg6[%dma_wait3A_350, %dma_wait3A_351] : memref<4x128xi32, #tpu.memory_space<vmem>> -> memref<1x128xi32, #tpu.memory_space<vmem>>
    %dma_wait3A_353 = tpu.memref_squeeze %dma_wait3A_352 : memref<1x128xi32, #tpu.memory_space<vmem>> -> memref<128xi32, #tpu.memory_space<vmem>>
    %dma_wait3A_354 = arith.constant 0 : i32
    %dma_wait3A_355 = arith.constant 0 : i32
    %dma_wait3A_356 = tpu.memref_slice %arg2[%dma_wait3A_354, %dma_wait3A_355] : memref<10000x128xf32, #tpu.memory_space<hbm>> -> memref<10000x128xf32, #tpu.memory_space<hbm>>
    tpu.wait_indirect_dma semaphore(%arg15 : memref<!tpu.dma_semaphore, #tpu.memory_space<semaphore_mem>>) src(%dma_wait3A_356 : memref<10000x128xf32, #tpu.memory_space<hbm>>) dst(%arg8 : memref<128x128xf32, #tpu.memory_space<vmem>>)
    %run_scoped3A_357 = arith.constant 2 : i32
    "tpu.region"() ({
      %run_scoped3A_603 = tpu.sem_alloc : memref<!tpu.dma_semaphore, #tpu.memory_space<semaphore_mem>>
      %dma_start3A_604 = arith.constant 0 : i32
      %dma_start3A_605 = tpu.memref_slice %arg7[%run_scoped3A_357, %dma_start3A_604] : memref<4x128xi32, #tpu.memory_space<vmem>> -> memref<1x128xi32, #tpu.memory_space<vmem>>
      %dma_start3A_606 = tpu.memref_squeeze %dma_start3A_605 : memref<1x128xi32, #tpu.memory_space<vmem>> -> memref<128xi32, #tpu.memory_space<vmem>>
      %dma_start3A_607 = arith.constant 0 : i32
      %dma_start3A_608 = arith.constant 0 : i32
      %dma_start3A_609 = tpu.memref_slice %arg10[%dma_start3A_607, %dma_start3A_608] : memref<10240x128xf32, #tpu.memory_space<vmem_shared>> -> memref<10240x128xf32, #tpu.memory_space<vmem_shared>>
      tpu.enqueue_indirect_dma source(%arg8 : memref<128x128xf32, #tpu.memory_space<vmem>>) target(%dma_start3A_609 : memref<10240x128xf32, #tpu.memory_space<vmem_shared>>) offsets(%dma_start3A_606 : memref<128xi32, #tpu.memory_space<vmem>>) semaphore(%run_scoped3A_603 : memref<!tpu.dma_semaphore, #tpu.memory_space<semaphore_mem>>) {add = true}
      %dma_wait3A_610 = arith.constant 0 : i32
      %dma_wait3A_611 = tpu.memref_slice %arg7[%run_scoped3A_357, %dma_wait3A_610] : memref<4x128xi32, #tpu.memory_space<vmem>> -> memref<1x128xi32, #tpu.memory_space<vmem>>
      %dma_wait3A_612 = tpu.memref_squeeze %dma_wait3A_611 : memref<1x128xi32, #tpu.memory_space<vmem>> -> memref<128xi32, #tpu.memory_space<vmem>>
      %dma_wait3A_613 = arith.constant 0 : i32
      %dma_wait3A_614 = arith.constant 0 : i32
      %dma_wait3A_615 = tpu.memref_slice %arg10[%dma_wait3A_613, %dma_wait3A_614] : memref<10240x128xf32, #tpu.memory_space<vmem_shared>> -> memref<10240x128xf32, #tpu.memory_space<vmem_shared>>
      tpu.wait_indirect_dma semaphore(%run_scoped3A_603 : memref<!tpu.dma_semaphore, #tpu.memory_space<semaphore_mem>>) src(%arg8 : memref<128x128xf32, #tpu.memory_space<vmem>>) dst(%dma_wait3A_615 : memref<10240x128xf32, #tpu.memory_space<vmem_shared>>)
      tpu.yield
    }) : () -> ()
    %add3A_358 = arith.constant 78 : i32
    %add3A_359 = arith.addi %mul3A_2, %add3A_358 : i32
    %dma_start3A_360 = arith.constant 2 : i32
    %dma_start3A_361 = arith.constant 0 : i32
    %dma_start3A_362 = tpu.memref_slice %arg7[%dma_start3A_360, %dma_start3A_361] : memref<4x128xi32, #tpu.memory_space<vmem>> -> memref<1x128xi32, #tpu.memory_space<vmem>>
    %dma_start3A_363 = tpu.memref_squeeze %dma_start3A_362 : memref<1x128xi32, #tpu.memory_space<vmem>> -> memref<128xi32, #tpu.memory_space<vmem>>
    %dma_start3A_364 = arith.constant 0 : i32
    %dma_start3A_365 = tpu.memref_slice %arg3[%add3A_359, %dma_start3A_364] : memref<2560x128xi32, #tpu.memory_space<hbm>> -> memref<1x128xi32, #tpu.memory_space<hbm>>
    %dma_start3A_366 = tpu.memref_squeeze %dma_start3A_365 : memref<1x128xi32, #tpu.memory_space<hbm>> -> memref<128xi32, #tpu.memory_space<hbm>>
    %dma_start3A_367 = arith.constant 0 : i32
    %dma_start3A_368 = tpu.memref_slice %arg7[%dma_start3A_360, %dma_start3A_367] : memref<4x128xi32, #tpu.memory_space<vmem>> -> memref<1x128xi32, #tpu.memory_space<vmem>>
    %dma_start3A_369 = tpu.memref_squeeze %dma_start3A_368 : memref<1x128xi32, #tpu.memory_space<vmem>> -> memref<128xi32, #tpu.memory_space<vmem>>
    %dma_start3A_370 = arith.constant 0 : i32
    %dma_start3A_371 = tpu.memref_slice %arg3[%add3A_359, %dma_start3A_370] : memref<2560x128xi32, #tpu.memory_space<hbm>> -> memref<1x128xi32, #tpu.memory_space<hbm>>
    %dma_start3A_372 = tpu.memref_squeeze %dma_start3A_371 : memref<1x128xi32, #tpu.memory_space<hbm>> -> memref<128xi32, #tpu.memory_space<hbm>>
    tpu.enqueue_dma source(%dma_start3A_372 : memref<128xi32, #tpu.memory_space<hbm>>) target(%dma_start3A_369 : memref<128xi32, #tpu.memory_space<vmem>>) target_semaphore(%arg13 : memref<!tpu.dma_semaphore, #tpu.memory_space<semaphore_mem>>)
    %add3A_373 = arith.constant 78 : i32
    %add3A_374 = arith.addi %mul3A_2, %add3A_373 : i32
    %dma_start3A_375 = arith.constant 2 : i32
    %dma_start3A_376 = arith.constant 0 : i32
    %dma_start3A_377 = tpu.memref_slice %arg6[%dma_start3A_375, %dma_start3A_376] : memref<4x128xi32, #tpu.memory_space<vmem>> -> memref<1x128xi32, #tpu.memory_space<vmem>>
    %dma_start3A_378 = tpu.memref_squeeze %dma_start3A_377 : memref<1x128xi32, #tpu.memory_space<vmem>> -> memref<128xi32, #tpu.memory_space<vmem>>
    %dma_start3A_379 = arith.constant 0 : i32
    %dma_start3A_380 = tpu.memref_slice %arg4[%add3A_374, %dma_start3A_379] : memref<2560x128xi32, #tpu.memory_space<hbm>> -> memref<1x128xi32, #tpu.memory_space<hbm>>
    %dma_start3A_381 = tpu.memref_squeeze %dma_start3A_380 : memref<1x128xi32, #tpu.memory_space<hbm>> -> memref<128xi32, #tpu.memory_space<hbm>>
    %dma_start3A_382 = arith.constant 0 : i32
    %dma_start3A_383 = tpu.memref_slice %arg6[%dma_start3A_375, %dma_start3A_382] : memref<4x128xi32, #tpu.memory_space<vmem>> -> memref<1x128xi32, #tpu.memory_space<vmem>>
    %dma_start3A_384 = tpu.memref_squeeze %dma_start3A_383 : memref<1x128xi32, #tpu.memory_space<vmem>> -> memref<128xi32, #tpu.memory_space<vmem>>
    %dma_start3A_385 = arith.constant 0 : i32
    %dma_start3A_386 = tpu.memref_slice %arg4[%add3A_374, %dma_start3A_385] : memref<2560x128xi32, #tpu.memory_space<hbm>> -> memref<1x128xi32, #tpu.memory_space<hbm>>
    %dma_start3A_387 = tpu.memref_squeeze %dma_start3A_386 : memref<1x128xi32, #tpu.memory_space<hbm>> -> memref<128xi32, #tpu.memory_space<hbm>>
    tpu.enqueue_dma source(%dma_start3A_387 : memref<128xi32, #tpu.memory_space<hbm>>) target(%dma_start3A_384 : memref<128xi32, #tpu.memory_space<vmem>>) target_semaphore(%arg13 : memref<!tpu.dma_semaphore, #tpu.memory_space<semaphore_mem>>)
    %dma_wait3A_388 = arith.constant 0 : i32
    %dma_wait3A_389 = arith.constant 0 : i32
    %dma_wait3A_390 = arith.constant 0 : i32
    %dma_wait3A_391 = tpu.memref_slice %arg7[%dma_wait3A_389, %dma_wait3A_390] : memref<4x128xi32, #tpu.memory_space<vmem>> -> memref<1x128xi32, #tpu.memory_space<vmem>>
    %dma_wait3A_392 = tpu.memref_squeeze %dma_wait3A_391 : memref<1x128xi32, #tpu.memory_space<vmem>> -> memref<128xi32, #tpu.memory_space<vmem>>
    %dma_wait3A_393 = arith.constant 0 : i32
    %dma_wait3A_394 = tpu.memref_slice %arg3[%dma_wait3A_388, %dma_wait3A_393] : memref<2560x128xi32, #tpu.memory_space<hbm>> -> memref<1x128xi32, #tpu.memory_space<hbm>>
    %dma_wait3A_395 = tpu.memref_squeeze %dma_wait3A_394 : memref<1x128xi32, #tpu.memory_space<hbm>> -> memref<128xi32, #tpu.memory_space<hbm>>
    %dma_wait3A_396 = arith.constant 0 : i32
    %dma_wait3A_397 = tpu.memref_slice %arg7[%dma_wait3A_389, %dma_wait3A_396] : memref<4x128xi32, #tpu.memory_space<vmem>> -> memref<1x128xi32, #tpu.memory_space<vmem>>
    %dma_wait3A_398 = tpu.memref_squeeze %dma_wait3A_397 : memref<1x128xi32, #tpu.memory_space<vmem>> -> memref<128xi32, #tpu.memory_space<vmem>>
    %dma_wait3A_399 = arith.constant 0 : i32
    %dma_wait3A_400 = tpu.memref_slice %arg3[%dma_wait3A_388, %dma_wait3A_399] : memref<2560x128xi32, #tpu.memory_space<hbm>> -> memref<1x128xi32, #tpu.memory_space<hbm>>
    %dma_wait3A_401 = tpu.memref_squeeze %dma_wait3A_400 : memref<1x128xi32, #tpu.memory_space<hbm>> -> memref<128xi32, #tpu.memory_space<hbm>>
    tpu.wait_dma2 semaphore(%arg11 : memref<!tpu.dma_semaphore, #tpu.memory_space<semaphore_mem>>) src(%dma_wait3A_401 : memref<128xi32, #tpu.memory_space<hbm>>) dst(%dma_wait3A_398 : memref<128xi32, #tpu.memory_space<vmem>>)
    %dma_wait3A_402 = arith.constant 0 : i32
    %dma_wait3A_403 = arith.constant 0 : i32
    %dma_wait3A_404 = arith.constant 0 : i32
    %dma_wait3A_405 = tpu.memref_slice %arg6[%dma_wait3A_403, %dma_wait3A_404] : memref<4x128xi32, #tpu.memory_space<vmem>> -> memref<1x128xi32, #tpu.memory_space<vmem>>
    %dma_wait3A_406 = tpu.memref_squeeze %dma_wait3A_405 : memref<1x128xi32, #tpu.memory_space<vmem>> -> memref<128xi32, #tpu.memory_space<vmem>>
    %dma_wait3A_407 = arith.constant 0 : i32
    %dma_wait3A_408 = tpu.memref_slice %arg4[%dma_wait3A_402, %dma_wait3A_407] : memref<2560x128xi32, #tpu.memory_space<hbm>> -> memref<1x128xi32, #tpu.memory_space<hbm>>
    %dma_wait3A_409 = tpu.memref_squeeze %dma_wait3A_408 : memref<1x128xi32, #tpu.memory_space<hbm>> -> memref<128xi32, #tpu.memory_space<hbm>>
    %dma_wait3A_410 = arith.constant 0 : i32
    %dma_wait3A_411 = tpu.memref_slice %arg6[%dma_wait3A_403, %dma_wait3A_410] : memref<4x128xi32, #tpu.memory_space<vmem>> -> memref<1x128xi32, #tpu.memory_space<vmem>>
    %dma_wait3A_412 = tpu.memref_squeeze %dma_wait3A_411 : memref<1x128xi32, #tpu.memory_space<vmem>> -> memref<128xi32, #tpu.memory_space<vmem>>
    %dma_wait3A_413 = arith.constant 0 : i32
    %dma_wait3A_414 = tpu.memref_slice %arg4[%dma_wait3A_402, %dma_wait3A_413] : memref<2560x128xi32, #tpu.memory_space<hbm>> -> memref<1x128xi32, #tpu.memory_space<hbm>>
    %dma_wait3A_415 = tpu.memref_squeeze %dma_wait3A_414 : memref<1x128xi32, #tpu.memory_space<hbm>> -> memref<128xi32, #tpu.memory_space<hbm>>
    tpu.wait_dma2 semaphore(%arg11 : memref<!tpu.dma_semaphore, #tpu.memory_space<semaphore_mem>>) src(%dma_wait3A_415 : memref<128xi32, #tpu.memory_space<hbm>>) dst(%dma_wait3A_412 : memref<128xi32, #tpu.memory_space<vmem>>)
    %dma_start3A_416 = arith.constant 0 : i32
    %dma_start3A_417 = arith.constant 0 : i32
    %dma_start3A_418 = tpu.memref_slice %arg6[%dma_start3A_416, %dma_start3A_417] : memref<4x128xi32, #tpu.memory_space<vmem>> -> memref<1x128xi32, #tpu.memory_space<vmem>>
    %dma_start3A_419 = tpu.memref_squeeze %dma_start3A_418 : memref<1x128xi32, #tpu.memory_space<vmem>> -> memref<128xi32, #tpu.memory_space<vmem>>
    %dma_start3A_420 = arith.constant 0 : i32
    %dma_start3A_421 = arith.constant 0 : i32
    %dma_start3A_422 = tpu.memref_slice %arg2[%dma_start3A_420, %dma_start3A_421] : memref<10000x128xf32, #tpu.memory_space<hbm>> -> memref<10000x128xf32, #tpu.memory_space<hbm>>
    tpu.enqueue_indirect_dma source(%dma_start3A_422 : memref<10000x128xf32, #tpu.memory_space<hbm>>) target(%arg8 : memref<128x128xf32, #tpu.memory_space<vmem>>) offsets(%dma_start3A_419 : memref<128xi32, #tpu.memory_space<vmem>>) semaphore(%arg15 : memref<!tpu.dma_semaphore, #tpu.memory_space<semaphore_mem>>)
    %dma_wait3A_423 = arith.constant 3 : i32
    %dma_wait3A_424 = arith.constant 0 : i32
    %dma_wait3A_425 = tpu.memref_slice %arg6[%dma_wait3A_423, %dma_wait3A_424] : memref<4x128xi32, #tpu.memory_space<vmem>> -> memref<1x128xi32, #tpu.memory_space<vmem>>
    %dma_wait3A_426 = tpu.memref_squeeze %dma_wait3A_425 : memref<1x128xi32, #tpu.memory_space<vmem>> -> memref<128xi32, #tpu.memory_space<vmem>>
    %dma_wait3A_427 = arith.constant 0 : i32
    %dma_wait3A_428 = arith.constant 0 : i32
    %dma_wait3A_429 = tpu.memref_slice %arg2[%dma_wait3A_427, %dma_wait3A_428] : memref<10000x128xf32, #tpu.memory_space<hbm>> -> memref<10000x128xf32, #tpu.memory_space<hbm>>
    tpu.wait_indirect_dma semaphore(%arg16 : memref<!tpu.dma_semaphore, #tpu.memory_space<semaphore_mem>>) src(%dma_wait3A_429 : memref<10000x128xf32, #tpu.memory_space<hbm>>) dst(%arg9 : memref<128x128xf32, #tpu.memory_space<vmem>>)
    %run_scoped3A_430 = arith.constant 3 : i32
    "tpu.region"() ({
      %run_scoped3A_603 = tpu.sem_alloc : memref<!tpu.dma_semaphore, #tpu.memory_space<semaphore_mem>>
      %dma_start3A_604 = arith.constant 0 : i32
      %dma_start3A_605 = tpu.memref_slice %arg7[%run_scoped3A_430, %dma_start3A_604] : memref<4x128xi32, #tpu.memory_space<vmem>> -> memref<1x128xi32, #tpu.memory_space<vmem>>
      %dma_start3A_606 = tpu.memref_squeeze %dma_start3A_605 : memref<1x128xi32, #tpu.memory_space<vmem>> -> memref<128xi32, #tpu.memory_space<vmem>>
      %dma_start3A_607 = arith.constant 0 : i32
      %dma_start3A_608 = arith.constant 0 : i32
      %dma_start3A_609 = tpu.memref_slice %arg10[%dma_start3A_607, %dma_start3A_608] : memref<10240x128xf32, #tpu.memory_space<vmem_shared>> -> memref<10240x128xf32, #tpu.memory_space<vmem_shared>>
      tpu.enqueue_indirect_dma source(%arg9 : memref<128x128xf32, #tpu.memory_space<vmem>>) target(%dma_start3A_609 : memref<10240x128xf32, #tpu.memory_space<vmem_shared>>) offsets(%dma_start3A_606 : memref<128xi32, #tpu.memory_space<vmem>>) semaphore(%run_scoped3A_603 : memref<!tpu.dma_semaphore, #tpu.memory_space<semaphore_mem>>) {add = true}
      %dma_wait3A_610 = arith.constant 0 : i32
      %dma_wait3A_611 = tpu.memref_slice %arg7[%run_scoped3A_430, %dma_wait3A_610] : memref<4x128xi32, #tpu.memory_space<vmem>> -> memref<1x128xi32, #tpu.memory_space<vmem>>
      %dma_wait3A_612 = tpu.memref_squeeze %dma_wait3A_611 : memref<1x128xi32, #tpu.memory_space<vmem>> -> memref<128xi32, #tpu.memory_space<vmem>>
      %dma_wait3A_613 = arith.constant 0 : i32
      %dma_wait3A_614 = arith.constant 0 : i32
      %dma_wait3A_615 = tpu.memref_slice %arg10[%dma_wait3A_613, %dma_wait3A_614] : memref<10240x128xf32, #tpu.memory_space<vmem_shared>> -> memref<10240x128xf32, #tpu.memory_space<vmem_shared>>
      tpu.wait_indirect_dma semaphore(%run_scoped3A_603 : memref<!tpu.dma_semaphore, #tpu.memory_space<semaphore_mem>>) src(%arg9 : memref<128x128xf32, #tpu.memory_space<vmem>>) dst(%dma_wait3A_615 : memref<10240x128xf32, #tpu.memory_space<vmem_shared>>)
      tpu.yield
    }) : () -> ()
    %add3A_431 = arith.constant 79 : i32
    %add3A_432 = arith.addi %mul3A_2, %add3A_431 : i32
    %dma_start3A_433 = arith.constant 3 : i32
    %dma_start3A_434 = arith.constant 0 : i32
    %dma_start3A_435 = tpu.memref_slice %arg7[%dma_start3A_433, %dma_start3A_434] : memref<4x128xi32, #tpu.memory_space<vmem>> -> memref<1x128xi32, #tpu.memory_space<vmem>>
    %dma_start3A_436 = tpu.memref_squeeze %dma_start3A_435 : memref<1x128xi32, #tpu.memory_space<vmem>> -> memref<128xi32, #tpu.memory_space<vmem>>
    %dma_start3A_437 = arith.constant 0 : i32
    %dma_start3A_438 = tpu.memref_slice %arg3[%add3A_432, %dma_start3A_437] : memref<2560x128xi32, #tpu.memory_space<hbm>> -> memref<1x128xi32, #tpu.memory_space<hbm>>
    %dma_start3A_439 = tpu.memref_squeeze %dma_start3A_438 : memref<1x128xi32, #tpu.memory_space<hbm>> -> memref<128xi32, #tpu.memory_space<hbm>>
    %dma_start3A_440 = arith.constant 0 : i32
    %dma_start3A_441 = tpu.memref_slice %arg7[%dma_start3A_433, %dma_start3A_440] : memref<4x128xi32, #tpu.memory_space<vmem>> -> memref<1x128xi32, #tpu.memory_space<vmem>>
    %dma_start3A_442 = tpu.memref_squeeze %dma_start3A_441 : memref<1x128xi32, #tpu.memory_space<vmem>> -> memref<128xi32, #tpu.memory_space<vmem>>
    %dma_start3A_443 = arith.constant 0 : i32
    %dma_start3A_444 = tpu.memref_slice %arg3[%add3A_432, %dma_start3A_443] : memref<2560x128xi32, #tpu.memory_space<hbm>> -> memref<1x128xi32, #tpu.memory_space<hbm>>
    %dma_start3A_445 = tpu.memref_squeeze %dma_start3A_444 : memref<1x128xi32, #tpu.memory_space<hbm>> -> memref<128xi32, #tpu.memory_space<hbm>>
    tpu.enqueue_dma source(%dma_start3A_445 : memref<128xi32, #tpu.memory_space<hbm>>) target(%dma_start3A_442 : memref<128xi32, #tpu.memory_space<vmem>>) target_semaphore(%arg14 : memref<!tpu.dma_semaphore, #tpu.memory_space<semaphore_mem>>)
    %add3A_446 = arith.constant 79 : i32
    %add3A_447 = arith.addi %mul3A_2, %add3A_446 : i32
    %dma_start3A_448 = arith.constant 3 : i32
    %dma_start3A_449 = arith.constant 0 : i32
    %dma_start3A_450 = tpu.memref_slice %arg6[%dma_start3A_448, %dma_start3A_449] : memref<4x128xi32, #tpu.memory_space<vmem>> -> memref<1x128xi32, #tpu.memory_space<vmem>>
    %dma_start3A_451 = tpu.memref_squeeze %dma_start3A_450 : memref<1x128xi32, #tpu.memory_space<vmem>> -> memref<128xi32, #tpu.memory_space<vmem>>
    %dma_start3A_452 = arith.constant 0 : i32
    %dma_start3A_453 = tpu.memref_slice %arg4[%add3A_447, %dma_start3A_452] : memref<2560x128xi32, #tpu.memory_space<hbm>> -> memref<1x128xi32, #tpu.memory_space<hbm>>
    %dma_start3A_454 = tpu.memref_squeeze %dma_start3A_453 : memref<1x128xi32, #tpu.memory_space<hbm>> -> memref<128xi32, #tpu.memory_space<hbm>>
    %dma_start3A_455 = arith.constant 0 : i32
    %dma_start3A_456 = tpu.memref_slice %arg6[%dma_start3A_448, %dma_start3A_455] : memref<4x128xi32, #tpu.memory_space<vmem>> -> memref<1x128xi32, #tpu.memory_space<vmem>>
    %dma_start3A_457 = tpu.memref_squeeze %dma_start3A_456 : memref<1x128xi32, #tpu.memory_space<vmem>> -> memref<128xi32, #tpu.memory_space<vmem>>
    %dma_start3A_458 = arith.constant 0 : i32
    %dma_start3A_459 = tpu.memref_slice %arg4[%add3A_447, %dma_start3A_458] : memref<2560x128xi32, #tpu.memory_space<hbm>> -> memref<1x128xi32, #tpu.memory_space<hbm>>
    %dma_start3A_460 = tpu.memref_squeeze %dma_start3A_459 : memref<1x128xi32, #tpu.memory_space<hbm>> -> memref<128xi32, #tpu.memory_space<hbm>>
    tpu.enqueue_dma source(%dma_start3A_460 : memref<128xi32, #tpu.memory_space<hbm>>) target(%dma_start3A_457 : memref<128xi32, #tpu.memory_space<vmem>>) target_semaphore(%arg14 : memref<!tpu.dma_semaphore, #tpu.memory_space<semaphore_mem>>)
    %dma_wait3A_461 = arith.constant 0 : i32
    %dma_wait3A_462 = arith.constant 1 : i32
    %dma_wait3A_463 = arith.constant 0 : i32
    %dma_wait3A_464 = tpu.memref_slice %arg7[%dma_wait3A_462, %dma_wait3A_463] : memref<4x128xi32, #tpu.memory_space<vmem>> -> memref<1x128xi32, #tpu.memory_space<vmem>>
    %dma_wait3A_465 = tpu.memref_squeeze %dma_wait3A_464 : memref<1x128xi32, #tpu.memory_space<vmem>> -> memref<128xi32, #tpu.memory_space<vmem>>
    %dma_wait3A_466 = arith.constant 0 : i32
    %dma_wait3A_467 = tpu.memref_slice %arg3[%dma_wait3A_461, %dma_wait3A_466] : memref<2560x128xi32, #tpu.memory_space<hbm>> -> memref<1x128xi32, #tpu.memory_space<hbm>>
    %dma_wait3A_468 = tpu.memref_squeeze %dma_wait3A_467 : memref<1x128xi32, #tpu.memory_space<hbm>> -> memref<128xi32, #tpu.memory_space<hbm>>
    %dma_wait3A_469 = arith.constant 0 : i32
    %dma_wait3A_470 = tpu.memref_slice %arg7[%dma_wait3A_462, %dma_wait3A_469] : memref<4x128xi32, #tpu.memory_space<vmem>> -> memref<1x128xi32, #tpu.memory_space<vmem>>
    %dma_wait3A_471 = tpu.memref_squeeze %dma_wait3A_470 : memref<1x128xi32, #tpu.memory_space<vmem>> -> memref<128xi32, #tpu.memory_space<vmem>>
    %dma_wait3A_472 = arith.constant 0 : i32
    %dma_wait3A_473 = tpu.memref_slice %arg3[%dma_wait3A_461, %dma_wait3A_472] : memref<2560x128xi32, #tpu.memory_space<hbm>> -> memref<1x128xi32, #tpu.memory_space<hbm>>
    %dma_wait3A_474 = tpu.memref_squeeze %dma_wait3A_473 : memref<1x128xi32, #tpu.memory_space<hbm>> -> memref<128xi32, #tpu.memory_space<hbm>>
    tpu.wait_dma2 semaphore(%arg12 : memref<!tpu.dma_semaphore, #tpu.memory_space<semaphore_mem>>) src(%dma_wait3A_474 : memref<128xi32, #tpu.memory_space<hbm>>) dst(%dma_wait3A_471 : memref<128xi32, #tpu.memory_space<vmem>>)
    %dma_wait3A_475 = arith.constant 0 : i32
    %dma_wait3A_476 = arith.constant 1 : i32
    %dma_wait3A_477 = arith.constant 0 : i32
    %dma_wait3A_478 = tpu.memref_slice %arg6[%dma_wait3A_476, %dma_wait3A_477] : memref<4x128xi32, #tpu.memory_space<vmem>> -> memref<1x128xi32, #tpu.memory_space<vmem>>
    %dma_wait3A_479 = tpu.memref_squeeze %dma_wait3A_478 : memref<1x128xi32, #tpu.memory_space<vmem>> -> memref<128xi32, #tpu.memory_space<vmem>>
    %dma_wait3A_480 = arith.constant 0 : i32
    %dma_wait3A_481 = tpu.memref_slice %arg4[%dma_wait3A_475, %dma_wait3A_480] : memref<2560x128xi32, #tpu.memory_space<hbm>> -> memref<1x128xi32, #tpu.memory_space<hbm>>
    %dma_wait3A_482 = tpu.memref_squeeze %dma_wait3A_481 : memref<1x128xi32, #tpu.memory_space<hbm>> -> memref<128xi32, #tpu.memory_space<hbm>>
    %dma_wait3A_483 = arith.constant 0 : i32
    %dma_wait3A_484 = tpu.memref_slice %arg6[%dma_wait3A_476, %dma_wait3A_483] : memref<4x128xi32, #tpu.memory_space<vmem>> -> memref<1x128xi32, #tpu.memory_space<vmem>>
    %dma_wait3A_485 = tpu.memref_squeeze %dma_wait3A_484 : memref<1x128xi32, #tpu.memory_space<vmem>> -> memref<128xi32, #tpu.memory_space<vmem>>
    %dma_wait3A_486 = arith.constant 0 : i32
    %dma_wait3A_487 = tpu.memref_slice %arg4[%dma_wait3A_475, %dma_wait3A_486] : memref<2560x128xi32, #tpu.memory_space<hbm>> -> memref<1x128xi32, #tpu.memory_space<hbm>>
    %dma_wait3A_488 = tpu.memref_squeeze %dma_wait3A_487 : memref<1x128xi32, #tpu.memory_space<hbm>> -> memref<128xi32, #tpu.memory_space<hbm>>
    tpu.wait_dma2 semaphore(%arg12 : memref<!tpu.dma_semaphore, #tpu.memory_space<semaphore_mem>>) src(%dma_wait3A_488 : memref<128xi32, #tpu.memory_space<hbm>>) dst(%dma_wait3A_485 : memref<128xi32, #tpu.memory_space<vmem>>)
    %dma_start3A_489 = arith.constant 1 : i32
    %dma_start3A_490 = arith.constant 0 : i32
    %dma_start3A_491 = tpu.memref_slice %arg6[%dma_start3A_489, %dma_start3A_490] : memref<4x128xi32, #tpu.memory_space<vmem>> -> memref<1x128xi32, #tpu.memory_space<vmem>>
    %dma_start3A_492 = tpu.memref_squeeze %dma_start3A_491 : memref<1x128xi32, #tpu.memory_space<vmem>> -> memref<128xi32, #tpu.memory_space<vmem>>
    %dma_start3A_493 = arith.constant 0 : i32
    %dma_start3A_494 = arith.constant 0 : i32
    %dma_start3A_495 = tpu.memref_slice %arg2[%dma_start3A_493, %dma_start3A_494] : memref<10000x128xf32, #tpu.memory_space<hbm>> -> memref<10000x128xf32, #tpu.memory_space<hbm>>
    tpu.enqueue_indirect_dma source(%dma_start3A_495 : memref<10000x128xf32, #tpu.memory_space<hbm>>) target(%arg9 : memref<128x128xf32, #tpu.memory_space<vmem>>) offsets(%dma_start3A_492 : memref<128xi32, #tpu.memory_space<vmem>>) semaphore(%arg16 : memref<!tpu.dma_semaphore, #tpu.memory_space<semaphore_mem>>)
    %dma_wait3A_496 = arith.constant 0 : i32
    %dma_wait3A_497 = arith.constant 0 : i32
    %dma_wait3A_498 = tpu.memref_slice %arg6[%dma_wait3A_496, %dma_wait3A_497] : memref<4x128xi32, #tpu.memory_space<vmem>> -> memref<1x128xi32, #tpu.memory_space<vmem>>
    %dma_wait3A_499 = tpu.memref_squeeze %dma_wait3A_498 : memref<1x128xi32, #tpu.memory_space<vmem>> -> memref<128xi32, #tpu.memory_space<vmem>>
    %dma_wait3A_500 = arith.constant 0 : i32
    %dma_wait3A_501 = arith.constant 0 : i32
    %dma_wait3A_502 = tpu.memref_slice %arg2[%dma_wait3A_500, %dma_wait3A_501] : memref<10000x128xf32, #tpu.memory_space<hbm>> -> memref<10000x128xf32, #tpu.memory_space<hbm>>
    tpu.wait_indirect_dma semaphore(%arg15 : memref<!tpu.dma_semaphore, #tpu.memory_space<semaphore_mem>>) src(%dma_wait3A_502 : memref<10000x128xf32, #tpu.memory_space<hbm>>) dst(%arg8 : memref<128x128xf32, #tpu.memory_space<vmem>>)
    %run_scoped3A_503 = arith.constant 0 : i32
    "tpu.region"() ({
      %run_scoped3A_603 = tpu.sem_alloc : memref<!tpu.dma_semaphore, #tpu.memory_space<semaphore_mem>>
      %dma_start3A_604 = arith.constant 0 : i32
      %dma_start3A_605 = tpu.memref_slice %arg7[%run_scoped3A_503, %dma_start3A_604] : memref<4x128xi32, #tpu.memory_space<vmem>> -> memref<1x128xi32, #tpu.memory_space<vmem>>
      %dma_start3A_606 = tpu.memref_squeeze %dma_start3A_605 : memref<1x128xi32, #tpu.memory_space<vmem>> -> memref<128xi32, #tpu.memory_space<vmem>>
      %dma_start3A_607 = arith.constant 0 : i32
      %dma_start3A_608 = arith.constant 0 : i32
      %dma_start3A_609 = tpu.memref_slice %arg10[%dma_start3A_607, %dma_start3A_608] : memref<10240x128xf32, #tpu.memory_space<vmem_shared>> -> memref<10240x128xf32, #tpu.memory_space<vmem_shared>>
      tpu.enqueue_indirect_dma source(%arg8 : memref<128x128xf32, #tpu.memory_space<vmem>>) target(%dma_start3A_609 : memref<10240x128xf32, #tpu.memory_space<vmem_shared>>) offsets(%dma_start3A_606 : memref<128xi32, #tpu.memory_space<vmem>>) semaphore(%run_scoped3A_603 : memref<!tpu.dma_semaphore, #tpu.memory_space<semaphore_mem>>) {add = true}
      %dma_wait3A_610 = arith.constant 0 : i32
      %dma_wait3A_611 = tpu.memref_slice %arg7[%run_scoped3A_503, %dma_wait3A_610] : memref<4x128xi32, #tpu.memory_space<vmem>> -> memref<1x128xi32, #tpu.memory_space<vmem>>
      %dma_wait3A_612 = tpu.memref_squeeze %dma_wait3A_611 : memref<1x128xi32, #tpu.memory_space<vmem>> -> memref<128xi32, #tpu.memory_space<vmem>>
      %dma_wait3A_613 = arith.constant 0 : i32
      %dma_wait3A_614 = arith.constant 0 : i32
      %dma_wait3A_615 = tpu.memref_slice %arg10[%dma_wait3A_613, %dma_wait3A_614] : memref<10240x128xf32, #tpu.memory_space<vmem_shared>> -> memref<10240x128xf32, #tpu.memory_space<vmem_shared>>
      tpu.wait_indirect_dma semaphore(%run_scoped3A_603 : memref<!tpu.dma_semaphore, #tpu.memory_space<semaphore_mem>>) src(%arg8 : memref<128x128xf32, #tpu.memory_space<vmem>>) dst(%dma_wait3A_615 : memref<10240x128xf32, #tpu.memory_space<vmem_shared>>)
      tpu.yield
    }) : () -> ()
    %dma_wait3A_504 = arith.constant 0 : i32
    %dma_wait3A_505 = arith.constant 2 : i32
    %dma_wait3A_506 = arith.constant 0 : i32
    %dma_wait3A_507 = tpu.memref_slice %arg7[%dma_wait3A_505, %dma_wait3A_506] : memref<4x128xi32, #tpu.memory_space<vmem>> -> memref<1x128xi32, #tpu.memory_space<vmem>>
    %dma_wait3A_508 = tpu.memref_squeeze %dma_wait3A_507 : memref<1x128xi32, #tpu.memory_space<vmem>> -> memref<128xi32, #tpu.memory_space<vmem>>
    %dma_wait3A_509 = arith.constant 0 : i32
    %dma_wait3A_510 = tpu.memref_slice %arg3[%dma_wait3A_504, %dma_wait3A_509] : memref<2560x128xi32, #tpu.memory_space<hbm>> -> memref<1x128xi32, #tpu.memory_space<hbm>>
    %dma_wait3A_511 = tpu.memref_squeeze %dma_wait3A_510 : memref<1x128xi32, #tpu.memory_space<hbm>> -> memref<128xi32, #tpu.memory_space<hbm>>
    %dma_wait3A_512 = arith.constant 0 : i32
    %dma_wait3A_513 = tpu.memref_slice %arg7[%dma_wait3A_505, %dma_wait3A_512] : memref<4x128xi32, #tpu.memory_space<vmem>> -> memref<1x128xi32, #tpu.memory_space<vmem>>
    %dma_wait3A_514 = tpu.memref_squeeze %dma_wait3A_513 : memref<1x128xi32, #tpu.memory_space<vmem>> -> memref<128xi32, #tpu.memory_space<vmem>>
    %dma_wait3A_515 = arith.constant 0 : i32
    %dma_wait3A_516 = tpu.memref_slice %arg3[%dma_wait3A_504, %dma_wait3A_515] : memref<2560x128xi32, #tpu.memory_space<hbm>> -> memref<1x128xi32, #tpu.memory_space<hbm>>
    %dma_wait3A_517 = tpu.memref_squeeze %dma_wait3A_516 : memref<1x128xi32, #tpu.memory_space<hbm>> -> memref<128xi32, #tpu.memory_space<hbm>>
    tpu.wait_dma2 semaphore(%arg13 : memref<!tpu.dma_semaphore, #tpu.memory_space<semaphore_mem>>) src(%dma_wait3A_517 : memref<128xi32, #tpu.memory_space<hbm>>) dst(%dma_wait3A_514 : memref<128xi32, #tpu.memory_space<vmem>>)
    %dma_wait3A_518 = arith.constant 0 : i32
    %dma_wait3A_519 = arith.constant 2 : i32
    %dma_wait3A_520 = arith.constant 0 : i32
    %dma_wait3A_521 = tpu.memref_slice %arg6[%dma_wait3A_519, %dma_wait3A_520] : memref<4x128xi32, #tpu.memory_space<vmem>> -> memref<1x128xi32, #tpu.memory_space<vmem>>
    %dma_wait3A_522 = tpu.memref_squeeze %dma_wait3A_521 : memref<1x128xi32, #tpu.memory_space<vmem>> -> memref<128xi32, #tpu.memory_space<vmem>>
    %dma_wait3A_523 = arith.constant 0 : i32
    %dma_wait3A_524 = tpu.memref_slice %arg4[%dma_wait3A_518, %dma_wait3A_523] : memref<2560x128xi32, #tpu.memory_space<hbm>> -> memref<1x128xi32, #tpu.memory_space<hbm>>
    %dma_wait3A_525 = tpu.memref_squeeze %dma_wait3A_524 : memref<1x128xi32, #tpu.memory_space<hbm>> -> memref<128xi32, #tpu.memory_space<hbm>>
    %dma_wait3A_526 = arith.constant 0 : i32
    %dma_wait3A_527 = tpu.memref_slice %arg6[%dma_wait3A_519, %dma_wait3A_526] : memref<4x128xi32, #tpu.memory_space<vmem>> -> memref<1x128xi32, #tpu.memory_space<vmem>>
    %dma_wait3A_528 = tpu.memref_squeeze %dma_wait3A_527 : memref<1x128xi32, #tpu.memory_space<vmem>> -> memref<128xi32, #tpu.memory_space<vmem>>
    %dma_wait3A_529 = arith.constant 0 : i32
    %dma_wait3A_530 = tpu.memref_slice %arg4[%dma_wait3A_518, %dma_wait3A_529] : memref<2560x128xi32, #tpu.memory_space<hbm>> -> memref<1x128xi32, #tpu.memory_space<hbm>>
    %dma_wait3A_531 = tpu.memref_squeeze %dma_wait3A_530 : memref<1x128xi32, #tpu.memory_space<hbm>> -> memref<128xi32, #tpu.memory_space<hbm>>
    tpu.wait_dma2 semaphore(%arg13 : memref<!tpu.dma_semaphore, #tpu.memory_space<semaphore_mem>>) src(%dma_wait3A_531 : memref<128xi32, #tpu.memory_space<hbm>>) dst(%dma_wait3A_528 : memref<128xi32, #tpu.memory_space<vmem>>)
    %dma_start3A_532 = arith.constant 2 : i32
    %dma_start3A_533 = arith.constant 0 : i32
    %dma_start3A_534 = tpu.memref_slice %arg6[%dma_start3A_532, %dma_start3A_533] : memref<4x128xi32, #tpu.memory_space<vmem>> -> memref<1x128xi32, #tpu.memory_space<vmem>>
    %dma_start3A_535 = tpu.memref_squeeze %dma_start3A_534 : memref<1x128xi32, #tpu.memory_space<vmem>> -> memref<128xi32, #tpu.memory_space<vmem>>
    %dma_start3A_536 = arith.constant 0 : i32
    %dma_start3A_537 = arith.constant 0 : i32
    %dma_start3A_538 = tpu.memref_slice %arg2[%dma_start3A_536, %dma_start3A_537] : memref<10000x128xf32, #tpu.memory_space<hbm>> -> memref<10000x128xf32, #tpu.memory_space<hbm>>
    tpu.enqueue_indirect_dma source(%dma_start3A_538 : memref<10000x128xf32, #tpu.memory_space<hbm>>) target(%arg8 : memref<128x128xf32, #tpu.memory_space<vmem>>) offsets(%dma_start3A_535 : memref<128xi32, #tpu.memory_space<vmem>>) semaphore(%arg15 : memref<!tpu.dma_semaphore, #tpu.memory_space<semaphore_mem>>)
    %dma_wait3A_539 = arith.constant 1 : i32
    %dma_wait3A_540 = arith.constant 0 : i32
    %dma_wait3A_541 = tpu.memref_slice %arg6[%dma_wait3A_539, %dma_wait3A_540] : memref<4x128xi32, #tpu.memory_space<vmem>> -> memref<1x128xi32, #tpu.memory_space<vmem>>
    %dma_wait3A_542 = tpu.memref_squeeze %dma_wait3A_541 : memref<1x128xi32, #tpu.memory_space<vmem>> -> memref<128xi32, #tpu.memory_space<vmem>>
    %dma_wait3A_543 = arith.constant 0 : i32
    %dma_wait3A_544 = arith.constant 0 : i32
    %dma_wait3A_545 = tpu.memref_slice %arg2[%dma_wait3A_543, %dma_wait3A_544] : memref<10000x128xf32, #tpu.memory_space<hbm>> -> memref<10000x128xf32, #tpu.memory_space<hbm>>
    tpu.wait_indirect_dma semaphore(%arg16 : memref<!tpu.dma_semaphore, #tpu.memory_space<semaphore_mem>>) src(%dma_wait3A_545 : memref<10000x128xf32, #tpu.memory_space<hbm>>) dst(%arg9 : memref<128x128xf32, #tpu.memory_space<vmem>>)
    %run_scoped3A_546 = arith.constant 1 : i32
    "tpu.region"() ({
      %run_scoped3A_603 = tpu.sem_alloc : memref<!tpu.dma_semaphore, #tpu.memory_space<semaphore_mem>>
      %dma_start3A_604 = arith.constant 0 : i32
      %dma_start3A_605 = tpu.memref_slice %arg7[%run_scoped3A_546, %dma_start3A_604] : memref<4x128xi32, #tpu.memory_space<vmem>> -> memref<1x128xi32, #tpu.memory_space<vmem>>
      %dma_start3A_606 = tpu.memref_squeeze %dma_start3A_605 : memref<1x128xi32, #tpu.memory_space<vmem>> -> memref<128xi32, #tpu.memory_space<vmem>>
      %dma_start3A_607 = arith.constant 0 : i32
      %dma_start3A_608 = arith.constant 0 : i32
      %dma_start3A_609 = tpu.memref_slice %arg10[%dma_start3A_607, %dma_start3A_608] : memref<10240x128xf32, #tpu.memory_space<vmem_shared>> -> memref<10240x128xf32, #tpu.memory_space<vmem_shared>>
      tpu.enqueue_indirect_dma source(%arg9 : memref<128x128xf32, #tpu.memory_space<vmem>>) target(%dma_start3A_609 : memref<10240x128xf32, #tpu.memory_space<vmem_shared>>) offsets(%dma_start3A_606 : memref<128xi32, #tpu.memory_space<vmem>>) semaphore(%run_scoped3A_603 : memref<!tpu.dma_semaphore, #tpu.memory_space<semaphore_mem>>) {add = true}
      %dma_wait3A_610 = arith.constant 0 : i32
      %dma_wait3A_611 = tpu.memref_slice %arg7[%run_scoped3A_546, %dma_wait3A_610] : memref<4x128xi32, #tpu.memory_space<vmem>> -> memref<1x128xi32, #tpu.memory_space<vmem>>
      %dma_wait3A_612 = tpu.memref_squeeze %dma_wait3A_611 : memref<1x128xi32, #tpu.memory_space<vmem>> -> memref<128xi32, #tpu.memory_space<vmem>>
      %dma_wait3A_613 = arith.constant 0 : i32
      %dma_wait3A_614 = arith.constant 0 : i32
      %dma_wait3A_615 = tpu.memref_slice %arg10[%dma_wait3A_613, %dma_wait3A_614] : memref<10240x128xf32, #tpu.memory_space<vmem_shared>> -> memref<10240x128xf32, #tpu.memory_space<vmem_shared>>
      tpu.wait_indirect_dma semaphore(%run_scoped3A_603 : memref<!tpu.dma_semaphore, #tpu.memory_space<semaphore_mem>>) src(%arg9 : memref<128x128xf32, #tpu.memory_space<vmem>>) dst(%dma_wait3A_615 : memref<10240x128xf32, #tpu.memory_space<vmem_shared>>)
      tpu.yield
    }) : () -> ()
    %dma_wait3A_547 = arith.constant 0 : i32
    %dma_wait3A_548 = arith.constant 3 : i32
    %dma_wait3A_549 = arith.constant 0 : i32
    %dma_wait3A_550 = tpu.memref_slice %arg7[%dma_wait3A_548, %dma_wait3A_549] : memref<4x128xi32, #tpu.memory_space<vmem>> -> memref<1x128xi32, #tpu.memory_space<vmem>>
    %dma_wait3A_551 = tpu.memref_squeeze %dma_wait3A_550 : memref<1x128xi32, #tpu.memory_space<vmem>> -> memref<128xi32, #tpu.memory_space<vmem>>
    %dma_wait3A_552 = arith.constant 0 : i32
    %dma_wait3A_553 = tpu.memref_slice %arg3[%dma_wait3A_547, %dma_wait3A_552] : memref<2560x128xi32, #tpu.memory_space<hbm>> -> memref<1x128xi32, #tpu.memory_space<hbm>>
    %dma_wait3A_554 = tpu.memref_squeeze %dma_wait3A_553 : memref<1x128xi32, #tpu.memory_space<hbm>> -> memref<128xi32, #tpu.memory_space<hbm>>
    %dma_wait3A_555 = arith.constant 0 : i32
    %dma_wait3A_556 = tpu.memref_slice %arg7[%dma_wait3A_548, %dma_wait3A_555] : memref<4x128xi32, #tpu.memory_space<vmem>> -> memref<1x128xi32, #tpu.memory_space<vmem>>
    %dma_wait3A_557 = tpu.memref_squeeze %dma_wait3A_556 : memref<1x128xi32, #tpu.memory_space<vmem>> -> memref<128xi32, #tpu.memory_space<vmem>>
    %dma_wait3A_558 = arith.constant 0 : i32
    %dma_wait3A_559 = tpu.memref_slice %arg3[%dma_wait3A_547, %dma_wait3A_558] : memref<2560x128xi32, #tpu.memory_space<hbm>> -> memref<1x128xi32, #tpu.memory_space<hbm>>
    %dma_wait3A_560 = tpu.memref_squeeze %dma_wait3A_559 : memref<1x128xi32, #tpu.memory_space<hbm>> -> memref<128xi32, #tpu.memory_space<hbm>>
    tpu.wait_dma2 semaphore(%arg14 : memref<!tpu.dma_semaphore, #tpu.memory_space<semaphore_mem>>) src(%dma_wait3A_560 : memref<128xi32, #tpu.memory_space<hbm>>) dst(%dma_wait3A_557 : memref<128xi32, #tpu.memory_space<vmem>>)
    %dma_wait3A_561 = arith.constant 0 : i32
    %dma_wait3A_562 = arith.constant 3 : i32
    %dma_wait3A_563 = arith.constant 0 : i32
    %dma_wait3A_564 = tpu.memref_slice %arg6[%dma_wait3A_562, %dma_wait3A_563] : memref<4x128xi32, #tpu.memory_space<vmem>> -> memref<1x128xi32, #tpu.memory_space<vmem>>
    %dma_wait3A_565 = tpu.memref_squeeze %dma_wait3A_564 : memref<1x128xi32, #tpu.memory_space<vmem>> -> memref<128xi32, #tpu.memory_space<vmem>>
    %dma_wait3A_566 = arith.constant 0 : i32
    %dma_wait3A_567 = tpu.memref_slice %arg4[%dma_wait3A_561, %dma_wait3A_566] : memref<2560x128xi32, #tpu.memory_space<hbm>> -> memref<1x128xi32, #tpu.memory_space<hbm>>
    %dma_wait3A_568 = tpu.memref_squeeze %dma_wait3A_567 : memref<1x128xi32, #tpu.memory_space<hbm>> -> memref<128xi32, #tpu.memory_space<hbm>>
    %dma_wait3A_569 = arith.constant 0 : i32
    %dma_wait3A_570 = tpu.memref_slice %arg6[%dma_wait3A_562, %dma_wait3A_569] : memref<4x128xi32, #tpu.memory_space<vmem>> -> memref<1x128xi32, #tpu.memory_space<vmem>>
    %dma_wait3A_571 = tpu.memref_squeeze %dma_wait3A_570 : memref<1x128xi32, #tpu.memory_space<vmem>> -> memref<128xi32, #tpu.memory_space<vmem>>
    %dma_wait3A_572 = arith.constant 0 : i32
    %dma_wait3A_573 = tpu.memref_slice %arg4[%dma_wait3A_561, %dma_wait3A_572] : memref<2560x128xi32, #tpu.memory_space<hbm>> -> memref<1x128xi32, #tpu.memory_space<hbm>>
    %dma_wait3A_574 = tpu.memref_squeeze %dma_wait3A_573 : memref<1x128xi32, #tpu.memory_space<hbm>> -> memref<128xi32, #tpu.memory_space<hbm>>
    tpu.wait_dma2 semaphore(%arg14 : memref<!tpu.dma_semaphore, #tpu.memory_space<semaphore_mem>>) src(%dma_wait3A_574 : memref<128xi32, #tpu.memory_space<hbm>>) dst(%dma_wait3A_571 : memref<128xi32, #tpu.memory_space<vmem>>)
    %dma_start3A_575 = arith.constant 3 : i32
    %dma_start3A_576 = arith.constant 0 : i32
    %dma_start3A_577 = tpu.memref_slice %arg6[%dma_start3A_575, %dma_start3A_576] : memref<4x128xi32, #tpu.memory_space<vmem>> -> memref<1x128xi32, #tpu.memory_space<vmem>>
    %dma_start3A_578 = tpu.memref_squeeze %dma_start3A_577 : memref<1x128xi32, #tpu.memory_space<vmem>> -> memref<128xi32, #tpu.memory_space<vmem>>
    %dma_start3A_579 = arith.constant 0 : i32
    %dma_start3A_580 = arith.constant 0 : i32
    %dma_start3A_581 = tpu.memref_slice %arg2[%dma_start3A_579, %dma_start3A_580] : memref<10000x128xf32, #tpu.memory_space<hbm>> -> memref<10000x128xf32, #tpu.memory_space<hbm>>
    tpu.enqueue_indirect_dma source(%dma_start3A_581 : memref<10000x128xf32, #tpu.memory_space<hbm>>) target(%arg9 : memref<128x128xf32, #tpu.memory_space<vmem>>) offsets(%dma_start3A_578 : memref<128xi32, #tpu.memory_space<vmem>>) semaphore(%arg16 : memref<!tpu.dma_semaphore, #tpu.memory_space<semaphore_mem>>)
    %dma_wait3A_582 = arith.constant 2 : i32
    %dma_wait3A_583 = arith.constant 0 : i32
    %dma_wait3A_584 = tpu.memref_slice %arg6[%dma_wait3A_582, %dma_wait3A_583] : memref<4x128xi32, #tpu.memory_space<vmem>> -> memref<1x128xi32, #tpu.memory_space<vmem>>
    %dma_wait3A_585 = tpu.memref_squeeze %dma_wait3A_584 : memref<1x128xi32, #tpu.memory_space<vmem>> -> memref<128xi32, #tpu.memory_space<vmem>>
    %dma_wait3A_586 = arith.constant 0 : i32
    %dma_wait3A_587 = arith.constant 0 : i32
    %dma_wait3A_588 = tpu.memref_slice %arg2[%dma_wait3A_586, %dma_wait3A_587] : memref<10000x128xf32, #tpu.memory_space<hbm>> -> memref<10000x128xf32, #tpu.memory_space<hbm>>
    tpu.wait_indirect_dma semaphore(%arg15 : memref<!tpu.dma_semaphore, #tpu.memory_space<semaphore_mem>>) src(%dma_wait3A_588 : memref<10000x128xf32, #tpu.memory_space<hbm>>) dst(%arg8 : memref<128x128xf32, #tpu.memory_space<vmem>>)
    %run_scoped3A_589 = arith.constant 2 : i32
    "tpu.region"() ({
      %run_scoped3A_603 = tpu.sem_alloc : memref<!tpu.dma_semaphore, #tpu.memory_space<semaphore_mem>>
      %dma_start3A_604 = arith.constant 0 : i32
      %dma_start3A_605 = tpu.memref_slice %arg7[%run_scoped3A_589, %dma_start3A_604] : memref<4x128xi32, #tpu.memory_space<vmem>> -> memref<1x128xi32, #tpu.memory_space<vmem>>
      %dma_start3A_606 = tpu.memref_squeeze %dma_start3A_605 : memref<1x128xi32, #tpu.memory_space<vmem>> -> memref<128xi32, #tpu.memory_space<vmem>>
      %dma_start3A_607 = arith.constant 0 : i32
      %dma_start3A_608 = arith.constant 0 : i32
      %dma_start3A_609 = tpu.memref_slice %arg10[%dma_start3A_607, %dma_start3A_608] : memref<10240x128xf32, #tpu.memory_space<vmem_shared>> -> memref<10240x128xf32, #tpu.memory_space<vmem_shared>>
      tpu.enqueue_indirect_dma source(%arg8 : memref<128x128xf32, #tpu.memory_space<vmem>>) target(%dma_start3A_609 : memref<10240x128xf32, #tpu.memory_space<vmem_shared>>) offsets(%dma_start3A_606 : memref<128xi32, #tpu.memory_space<vmem>>) semaphore(%run_scoped3A_603 : memref<!tpu.dma_semaphore, #tpu.memory_space<semaphore_mem>>) {add = true}
      %dma_wait3A_610 = arith.constant 0 : i32
      %dma_wait3A_611 = tpu.memref_slice %arg7[%run_scoped3A_589, %dma_wait3A_610] : memref<4x128xi32, #tpu.memory_space<vmem>> -> memref<1x128xi32, #tpu.memory_space<vmem>>
      %dma_wait3A_612 = tpu.memref_squeeze %dma_wait3A_611 : memref<1x128xi32, #tpu.memory_space<vmem>> -> memref<128xi32, #tpu.memory_space<vmem>>
      %dma_wait3A_613 = arith.constant 0 : i32
      %dma_wait3A_614 = arith.constant 0 : i32
      %dma_wait3A_615 = tpu.memref_slice %arg10[%dma_wait3A_613, %dma_wait3A_614] : memref<10240x128xf32, #tpu.memory_space<vmem_shared>> -> memref<10240x128xf32, #tpu.memory_space<vmem_shared>>
      tpu.wait_indirect_dma semaphore(%run_scoped3A_603 : memref<!tpu.dma_semaphore, #tpu.memory_space<semaphore_mem>>) src(%arg8 : memref<128x128xf32, #tpu.memory_space<vmem>>) dst(%dma_wait3A_615 : memref<10240x128xf32, #tpu.memory_space<vmem_shared>>)
      tpu.yield
    }) : () -> ()
    %dma_wait3A_590 = arith.constant 3 : i32
    %dma_wait3A_591 = arith.constant 0 : i32
    %dma_wait3A_592 = tpu.memref_slice %arg6[%dma_wait3A_590, %dma_wait3A_591] : memref<4x128xi32, #tpu.memory_space<vmem>> -> memref<1x128xi32, #tpu.memory_space<vmem>>
    %dma_wait3A_593 = tpu.memref_squeeze %dma_wait3A_592 : memref<1x128xi32, #tpu.memory_space<vmem>> -> memref<128xi32, #tpu.memory_space<vmem>>
    %dma_wait3A_594 = arith.constant 0 : i32
    %dma_wait3A_595 = arith.constant 0 : i32
    %dma_wait3A_596 = tpu.memref_slice %arg2[%dma_wait3A_594, %dma_wait3A_595] : memref<10000x128xf32, #tpu.memory_space<hbm>> -> memref<10000x128xf32, #tpu.memory_space<hbm>>
    tpu.wait_indirect_dma semaphore(%arg16 : memref<!tpu.dma_semaphore, #tpu.memory_space<semaphore_mem>>) src(%dma_wait3A_596 : memref<10000x128xf32, #tpu.memory_space<hbm>>) dst(%arg9 : memref<128x128xf32, #tpu.memory_space<vmem>>)
    %run_scoped3A_597 = arith.constant 3 : i32
    "tpu.region"() ({
      %run_scoped3A_603 = tpu.sem_alloc : memref<!tpu.dma_semaphore, #tpu.memory_space<semaphore_mem>>
      %dma_start3A_604 = arith.constant 0 : i32
      %dma_start3A_605 = tpu.memref_slice %arg7[%run_scoped3A_597, %dma_start3A_604] : memref<4x128xi32, #tpu.memory_space<vmem>> -> memref<1x128xi32, #tpu.memory_space<vmem>>
      %dma_start3A_606 = tpu.memref_squeeze %dma_start3A_605 : memref<1x128xi32, #tpu.memory_space<vmem>> -> memref<128xi32, #tpu.memory_space<vmem>>
      %dma_start3A_607 = arith.constant 0 : i32
      %dma_start3A_608 = arith.constant 0 : i32
      %dma_start3A_609 = tpu.memref_slice %arg10[%dma_start3A_607, %dma_start3A_608] : memref<10240x128xf32, #tpu.memory_space<vmem_shared>> -> memref<10240x128xf32, #tpu.memory_space<vmem_shared>>
      tpu.enqueue_indirect_dma source(%arg9 : memref<128x128xf32, #tpu.memory_space<vmem>>) target(%dma_start3A_609 : memref<10240x128xf32, #tpu.memory_space<vmem_shared>>) offsets(%dma_start3A_606 : memref<128xi32, #tpu.memory_space<vmem>>) semaphore(%run_scoped3A_603 : memref<!tpu.dma_semaphore, #tpu.memory_space<semaphore_mem>>) {add = true}
      %dma_wait3A_610 = arith.constant 0 : i32
      %dma_wait3A_611 = tpu.memref_slice %arg7[%run_scoped3A_597, %dma_wait3A_610] : memref<4x128xi32, #tpu.memory_space<vmem>> -> memref<1x128xi32, #tpu.memory_space<vmem>>
      %dma_wait3A_612 = tpu.memref_squeeze %dma_wait3A_611 : memref<1x128xi32, #tpu.memory_space<vmem>> -> memref<128xi32, #tpu.memory_space<vmem>>
      %dma_wait3A_613 = arith.constant 0 : i32
      %dma_wait3A_614 = arith.constant 0 : i32
      %dma_wait3A_615 = tpu.memref_slice %arg10[%dma_wait3A_613, %dma_wait3A_614] : memref<10240x128xf32, #tpu.memory_space<vmem_shared>> -> memref<10240x128xf32, #tpu.memory_space<vmem_shared>>
      tpu.wait_indirect_dma semaphore(%run_scoped3A_603 : memref<!tpu.dma_semaphore, #tpu.memory_space<semaphore_mem>>) src(%arg9 : memref<128x128xf32, #tpu.memory_space<vmem>>) dst(%dma_wait3A_615 : memref<10240x128xf32, #tpu.memory_space<vmem_shared>>)
      tpu.yield
    }) : () -> ()
    %barrier3A_598 = arith.constant 0 : index
    tpu.barrier barrier_id(%barrier3A_598)
    %mul3A_599 = arith.constant 640 : i32
    %mul3A_600 = arith.muli %arg1, %mul3A_599 : i32
    %mul3A_601 = arith.constant 640 : i32
    %mul3A_602 = arith.muli %arg1, %mul3A_601 : i32
    "tpu.region"() ({
      %run_scoped3A_603 = tpu.sem_alloc : memref<!tpu.dma_semaphore, #tpu.memory_space<semaphore_mem>>
      %dma_start3A_604 = arith.constant 0 : i32
      %dma_start3A_605 = tpu.memref_slice %arg5[%arg0, %mul3A_602, %dma_start3A_604] : memref<2x10240x128xf32, #tpu.memory_space<hbm>> -> memref<1x640x128xf32, #tpu.memory_space<hbm>>
      %dma_start3A_606 = tpu.memref_squeeze %dma_start3A_605 : memref<1x640x128xf32, #tpu.memory_space<hbm>> -> memref<640x128xf32, #tpu.memory_space<hbm>>
      %dma_start3A_607 = arith.constant 0 : i32
      %dma_start3A_608 = tpu.memref_slice %arg10[%mul3A_600, %dma_start3A_607] : memref<10240x128xf32, #tpu.memory_space<vmem_shared>> -> memref<640x128xf32, #tpu.memory_space<vmem_shared>>
      tpu.enqueue_dma source(%dma_start3A_608 : memref<640x128xf32, #tpu.memory_space<vmem_shared>>) target(%dma_start3A_606 : memref<640x128xf32, #tpu.memory_space<hbm>>) target_semaphore(%run_scoped3A_603 : memref<!tpu.dma_semaphore, #tpu.memory_space<semaphore_mem>>)
      %dma_wait3A_609 = arith.constant 0 : i32
      %dma_wait3A_610 = tpu.memref_slice %arg5[%arg0, %mul3A_602, %dma_wait3A_609] : memref<2x10240x128xf32, #tpu.memory_space<hbm>> -> memref<1x640x128xf32, #tpu.memory_space<hbm>>
      %dma_wait3A_611 = tpu.memref_squeeze %dma_wait3A_610 : memref<1x640x128xf32, #tpu.memory_space<hbm>> -> memref<640x128xf32, #tpu.memory_space<hbm>>
      %dma_wait3A_612 = arith.constant 0 : i32
      %dma_wait3A_613 = tpu.memref_slice %arg10[%mul3A_600, %dma_wait3A_612] : memref<10240x128xf32, #tpu.memory_space<vmem_shared>> -> memref<640x128xf32, #tpu.memory_space<vmem_shared>>
      tpu.wait_dma2 semaphore(%run_scoped3A_603 : memref<!tpu.dma_semaphore, #tpu.memory_space<semaphore_mem>>) src(%dma_wait3A_613 : memref<640x128xf32, #tpu.memory_space<vmem_shared>>) dst(%dma_wait3A_611 : memref<640x128xf32, #tpu.memory_space<hbm>>)
      tpu.yield
    }) : () -> ()
    return
  }
}

module attributes {stable_mosaic.version = 14 : i64} {
  func.func @body(%arg0: i32, %arg1: memref<1x1000x128xf32, #tpu.memory_space<vmem>>, %arg2: memref<1x1000x128xf32, #tpu.memory_space<vmem>>, %arg3: memref<1000x128xf32, #tpu.memory_space<vmem>>, %arg4: memref<128x128xf32, #tpu.memory_space<vmem>>, %arg5: memref<1000x128xf32, #tpu.memory_space<vmem>>) attributes {dimension_semantics = [#tpu.dimension_semantics<arbitrary>], iteration_bounds = array<i64: 10>, scalar_prefetch = 0 : i64, scratch_operands = 0 : i64, tpu.core_type = #tpu.core_type<tc>, window_params = [{transform_indices = @transform_0, window_bounds = array<i64: 1, 1000, 128>}, {transform_indices = @transform_1, window_bounds = array<i64: 1, 1000, 128>}, {transform_indices = @transform_2, window_bounds = array<i64: 1000, 128>}, {pipeline_mode = #tpu.pipeline_mode<synchronous>, transform_indices = @transform_3, window_bounds = array<i64: 128, 128>}, {transform_indices = @transform_4, window_bounds = array<i64: 1000, 128>}]} {
    %get3A = arith.constant 0 : index
    %get3A_0 = arith.constant 0 : index
    %get3A_1 = arith.constant 0 : index
    %get3A_2 = vector.load %arg1[%get3A, %get3A_0, %get3A_1] : memref<1x1000x128xf32, #tpu.memory_space<vmem>>, vector<1x1000x128xf32>
    %get3A_3 = vector.shape_cast %get3A_2 : vector<1x1000x128xf32> to vector<1000x128xf32>
    %get3A_4 = arith.constant 0 : index
    %get3A_5 = arith.constant 0 : index
    %get3A_6 = arith.constant 0 : index
    %get3A_7 = vector.load %arg2[%get3A_4, %get3A_5, %get3A_6] : memref<1x1000x128xf32, #tpu.memory_space<vmem>>, vector<1x1000x128xf32>
    %get3A_8 = vector.shape_cast %get3A_7 : vector<1x1000x128xf32> to vector<1000x128xf32>
    %add3A = arith.addf %get3A_3, %get3A_8 : vector<1000x128xf32>
    %get3A_9 = arith.constant 0 : index
    %get3A_10 = arith.constant 0 : index
    %get3A_11 = vector.load %arg3[%get3A_9, %get3A_10] : memref<1000x128xf32, #tpu.memory_space<vmem>>, vector<1000x128xf32>
    %add3A_12 = arith.addf %add3A, %get3A_11 : vector<1000x128xf32>
    %get3A_13 = arith.constant 0 : index
    %get3A_14 = arith.constant 0 : index
    %get3A_15 = vector.load %arg4[%get3A_13, %get3A_14] : memref<128x128xf32, #tpu.memory_space<vmem>>, vector<128x128xf32>
    %dot_general3A = arith.constant dense<0.000000e+00> : vector<1000x128xf32>
    %dot_general3A_16 = tpu.matmul %add3A_12, %get3A_15, %dot_general3A {dimension_numbers = #tpu.dot_dimension_numbers<[1], [0], [0], [1], [0, 0, 1, 1], [], []>, transpose_lhs_hint = false} : vector<1000x128xf32>, vector<128x128xf32>, vector<1000x128xf32> -> vector<1000x128xf32>
    %swap3A = arith.constant 0 : index
    %swap3A_17 = arith.constant 0 : index
    %swap3A_18 = vector.load %arg5[%swap3A, %swap3A_17] : memref<1000x128xf32, #tpu.memory_space<vmem>>, vector<1000x128xf32>
    tpu.vector_store %arg5[%swap3A, %swap3A_17], %dot_general3A_16 {strides = array<i32>} : memref<1000x128xf32, #tpu.memory_space<vmem>>, vector<1000x128xf32>,
    return
  }
  func.func @transform_0(%arg0: i32) -> (i32, i32, i32) {
    %c0_i32 = arith.constant 0 : i32
    %c0_i32_0 = arith.constant 0 : i32
    %c0_i32_1 = arith.constant 0 : i32
    return %c0_i32, %arg0, %c0_i32_0 : i32, i32, i32
  }
  func.func @transform_1(%arg0: i32) -> (i32, i32, i32) {
    %c1_i32 = arith.constant 1 : i32
    %c0_i32 = arith.constant 0 : i32
    %c0_i32_0 = arith.constant 0 : i32
    return %c1_i32, %arg0, %c0_i32 : i32, i32, i32
  }
  func.func @transform_2(%arg0: i32) -> (i32, i32) {
    %c0_i32 = arith.constant 0 : i32
    %c0_i32_0 = arith.constant 0 : i32
    return %arg0, %c0_i32 : i32, i32
  }
  func.func @transform_3(%arg0: i32) -> (i32, i32) {
    %c0_i32 = arith.constant 0 : i32
    %c0_i32_0 = arith.constant 0 : i32
    %c0_i32_1 = arith.constant 0 : i32
    return %c0_i32, %c0_i32_0 : i32, i32
  }
  func.func @transform_4(%arg0: i32) -> (i32, i32) {
    %c0_i32 = arith.constant 0 : i32
    %c0_i32_0 = arith.constant 0 : i32
    return %arg0, %c0_i32 : i32, i32
  }
}

</mosaic_0001>

<sc_bundles>
// kernel: kernel.4.cloned.1.call-start
scs
__scs_entry_jumppad:
0x0: {  	(pc) =	sbr.rel $0x88, $3  }
0x1: {  	(tag) =	ssettag $0x0;
	lr =	simm.s32 $0x1  }
0x2: {  	[smem:$0x3F9E] =	sst lr;
	_ =	strace $0xD0000000  }
0x3: {  	_ = 	snop  }
0x4: {  	_ = 	snop  }
0x5: {  	_ = 	snop  }
0x6: {  	_ = 	snop  }
0x7: {  	_ = 	snop  }
__scs_overlays_trampoline_lowered:
0x8: {  	[smem:$0x3FAD] =	sst s0  }
0x9: {  	[smem:$0x3FAE] =	sst s1  }
0xa: {  	[smem:$0x3FAF] =	sst s2  }
0xb: {  	[smem:$0x3FB0] =	sst s3  }
0xc: {  	[smem:$0x3FB1] =	sst s4  }
0xd: {  	[smem:$0x3FB2] =	sst s5  }
0xe: {  	[smem:$0x3FB3] =	sst s6  }
0xf: {  	[smem:$0x3FB4] =	sst s7  }
0x10: {  	[smem:$0x3FB5] =	sst s8  }
0x11: {  	[smem:$0x3FB6] =	sst s9;
	s0 =	simm.s32 @!p0 $0x0  }
0x12: {  	s1 =	sld [smem:$0x3F9C];
	s0 =	simm.s32 @p0 $0x1  }
0x13: {  	[smem:$0x3FB7] =	sst s0;
	s0 =	simm.s32 @!p1 $0x0  }
0x14: {  	s2 =	sld [smem:$0x3F9B];
	s0 =	simm.s32 @p1 $0x1  }
0x15: {  	[smem:$0x3FB8] =	sst s0;
	s0 =	simm.s32 @!p2 $0x0  }
0x16: {  	s3 =	sld [smem:$0x3FDB];
	s0 =	simm.s32 @p2 $0x1  }
0x17: {  	s4 =	simm.s32 $0x1BF5;
	[smem:$0x3FBA] =	sst s0  }
0x18: {  	s0 =	sld [smem:$0x3F9D];
	_ =	swait.ge [sflag:s4], $0x0  }
0x19: {  	s7 =	sld [smem:$0x3F9E]  }
0x1a: {  	s8 =	sadd.s32 $0xFFFFE003, lr  }
0x1b: {  	s9 =	sadd.s32 $0xFFFFFEF7, lr;
	s5 =	simm.s32 $0xFFFFFFFF;
	p2 =	slt.u32 s8, $0xFFFFF086  }
0x1c: {  	p1 =	slt.u32 s9, $0xF7A;
	s5 =	simm.s32 @!p2 $0x0  }
0x1d: {  	s5 =	simm.s32 @p1 $0x1;
	p0 =	seq.s32 s7, s2  }
0x1e: {  	s7 =	smul.u32 @!p0 $0xF7A, s2;
	p2 =	seq.s32 @!p0 s5, $0x0  }
0x1f: {  	s9 =	smul.u32 $0xF7A, s1;
	s8 =	simm.s32 @!p0 $0x1BF5;
	p2 =	por !p2, p0  }
0x20: {  	[sflag:s8] =	ssyncset.s32 @!p0 $0xFFFFF086;
	s6 =	sadd.s32 @!p0 s3, s7;
	s7 =	simm.s32 @!p0 $0x108  }
0x21: {  	s3 =	sadd.s32 s3, s9;
	s6 =	sadd.s32 @!p0 $0x88, s6;
	s7 =	simm.s32 @p2 $0x1082  }
0x22: {  	[simem:s7], [sflag:s8] =	dma.local @!p0 [hbm:s6], $0xF7A  }
0x23: {  	s9 =	sor.u32 $0xD0000000, s2;
	s6 =	simm.s32 $0x108;
	_ =	swait.ge @!p0 [sflag:s8], $0x0  }
0x24: {  	s3 =	sadd.s32 $0x88, s3;
	s6 =	simm.s32 @!p1 $0x1082;
	[sflag:s4] =	ssyncset.s32 $0xFFFFF086  }
0x25: {  	[simem:s6], [sflag:s4] =	dma.local [hbm:s3], $0xF7A  }
0x26: {  	[smem:$0x3F9E] =	sst s1;
	(tag) =	ssettag s2;
	_ =	strace s9  }
0x27: {  	s1 =	sld [smem:$0x3FAE]  }
0x28: {  	s2 =	sld [smem:$0x3FAF]  }
0x29: {  	s4 =	sld [smem:$0x3FB1]  }
0x2a: {  	p0 =	seq.s32 s5, $0x0;
	s5 =	sld [smem:$0x3FB2]  }
0x2b: {  	s6 =	sld [smem:$0x3FB3]  }
0x2c: {  	s7 =	sld [smem:$0x3FB4]  }
0x2d: {  	s3 =	simm.s32 $0x108;
	s8 =	sld [smem:$0x3FB5]  }
0x2e: {  	s3 =	simm.s32 @!p0 $0x1082;
	s9 =	sld [smem:$0x3FB6]  }
0x2f: {  	lr =	sadd.s32 s0, s3;
	s0 =	sld [smem:$0x3FAD]  }
0x30: {  	s3 =	sld [smem:$0x3FB0]  }
0x31: {  	[smem:$0x3FB9] =	sst s10  }
0x32: {  	s10 =	sld [smem:$0x3FB7];
	_ =	sdelay $0x3  }
0x33: {  	p0 =	seq.s32 s10, $0x1;
	s10 =	sld [smem:$0x3FB9];
	_ =	sdelay $0x3  }
0x34: {  	[smem:$0x3FB9] =	sst s10  }
0x35: {  	s10 =	sld [smem:$0x3FB8];
	_ =	sdelay $0x3  }
0x36: {  	p1 =	seq.s32 s10, $0x1;
	s10 =	sld [smem:$0x3FB9];
	_ =	sdelay $0x3  }
0x37: {  	[smem:$0x3FB9] =	sst s10  }
0x38: {  	s10 =	sld [smem:$0x3FBA]  }
0x39: {  	_ = 	snop;
	(pc) =	sbr.ind lr, $3  }
0x3a: {  	_ = 	snop  }
0x3b: {  	_ = 	snop  }
0x3c: {  	p2 =	seq.s32 s10, $0x1;
	s10 =	sld [smem:$0x3FB9]  }
0x3d: {  	_ =	shalt  }
0x3e: {  	_ =	shalt  }
0x3f: {  	_ =	shalt  }
0x40: {  	_ =	shalt  }
0x41: {  	_ =	shalt  }
0x42: {  	_ =	shalt  }
0x43: {  	_ =	shalt  }
0x44: {  	_ =	shalt  }
0x45: {  	_ =	shalt  }
0x46: {  	_ =	shalt  }
0x47: {  	_ =	shalt  }
0x48: {  	_ =	shalt  }
0x49: {  	_ =	shalt  }
0x4a: {  	_ =	shalt  }
0x4b: {  	_ =	shalt  }
0x4c: {  	_ =	shalt  }
0x4d: {  	_ =	shalt  }
0x4e: {  	_ =	shalt  }
0x4f: {  	_ =	shalt  }
0x50: {  	_ =	shalt  }
0x51: {  	_ =	shalt  }
0x52: {  	_ =	shalt  }
0x53: {  	_ =	shalt  }
0x54: {  	_ =	shalt  }
0x55: {  	_ =	shalt  }
0x56: {  	_ =	shalt  }
0x57: {  	_ =	shalt  }
0x58: {  	_ =	shalt  }
0x59: {  	_ =	shalt  }
0x5a: {  	_ =	shalt  }
0x5b: {  	_ =	shalt  }
0x5c: {  	_ =	shalt  }
0x5d: {  	_ =	shalt  }
0x5e: {  	_ =	shalt  }
0x5f: {  	_ =	shalt  }
0x60: {  	_ =	shalt  }
0x61: {  	_ =	shalt  }
0x62: {  	_ =	shalt  }
0x63: {  	_ =	shalt  }
0x64: {  	_ =	shalt  }
0x65: {  	_ =	shalt  }
0x66: {  	_ =	shalt  }
0x67: {  	_ =	shalt  }
0x68: {  	_ =	shalt  }
0x69: {  	_ =	shalt  }
0x6a: {  	_ =	shalt  }
0x6b: {  	_ =	shalt  }
0x6c: {  	_ =	shalt  }
0x6d: {  	_ =	shalt  }
0x6e: {  	_ =	shalt  }
0x6f: {  	_ =	shalt  }
0x70: {  	_ =	shalt  }
0x71: {  	_ =	shalt  }
0x72: {  	_ =	shalt  }
0x73: {  	_ =	shalt  }
0x74: {  	_ =	shalt  }
0x75: {  	_ =	shalt  }
0x76: {  	_ =	shalt  }
0x77: {  	_ =	shalt  }
0x78: {  	_ =	shalt  }
0x79: {  	_ =	shalt  }
0x7a: {  	_ =	shalt  }
0x7b: {  	_ =	shalt  }
0x7c: {  	_ =	shalt  }
0x7d: {  	_ =	shalt  }
0x7e: {  	_ =	shalt  }
0x7f: {  	_ =	shalt  }
0x80: {  	_ =	shalt  }
0x81: {  	_ =	shalt  }
0x82: {  	_ =	shalt  }
0x83: {  	_ =	shalt  }
0x84: {  	_ =	shalt  }
0x85: {  	_ =	shalt  }
0x86: {  	_ =	shalt  }
0x87: {  	_ =	shalt  }
.Lfunc_end0:
.L_simem_size_0:
called_computation_lowered:
.L_overlay_start_0:
0x88: {  	s2 =	sld [smem:$0x3FD9]  }
0x89: {  	s3 =	sld [smem:$0x3FFE];
	_ =	sdelay $0x1  }
0x8a: {  	s1 =	srdreg.scid  }
0x8b: {  	s0 =	sand.u32 $0x1, s1  }
0x8c: {  	s17 =	sshll.u32 s0, $0xA;
	s2 =	sadd.s32 s3, s2  }
0x8d: {  	s2 =	sadd.s32 s2, s17  }
0x8e: {  	[smem:$0x3FC5] =	sst s2  }
0x8f: {  	_ = 	snop  }
0x90: {  	s2 =	sld [smem:$0x3FC9]  }
0x91: {  	s18 =	sld [smem:$0x3FD0];
	(tm) =	ssettm $0x1  }
0x92: {  	s4 =	sld [smem:$0x3FFB];
	_ =	sdelay $0x3  }
0x93: {  	_ =	strace s4  }
0x94: {  	s4 =	sld [smem:$0x3FFC];
	_ =	sdelay $0x3  }
0x95: {  	_ =	strace s4  }
0x96: {  	s4 =	sld [smem:$0x3FFD];
	_ =	sdelay $0x3  }
0x97: {  	_ =	strace s4  }
0x98: {  	_ =	strace $0x8FFFFFFF  }
0x99: {  	s19 =	sld [smem:$0x3FDB];
	_ =	sdelay $0x1  }
0x9a: {  	s5 =	simm.s32 $_scs_section_size  }
0x9b: {  	s6 =	simm.s32 $_size__tile_overlayer_lowered;
	s7 =	simm.s32 $_tile_overlayer_lowered  }
0x9c: {  	s22 =	simm.s32 $0x1BFF;
	s21 =	sshll.u32 s7, $0x1;
	s4 =	sadd.s32 s5, s19  }
0x9d: {  	s8 =	simm.s32 $0x0;
	s20 =	sshll.u32 s6, $0x1;
	s6 =	sadd.s32 s21, s4  }
0x9e: {  	[timem:s8], [sflag:s22] =	dma.local [hbm:s6], s20  }
0x9f: {  	_ =	swait.ge [sflag:s22], s20  }
0xa0: {  	s5 =	ssub.s32 $0x0, s20;
	[sflag:s22] =	ssyncset.done $0x0  }
0xa1: {  	[sflag:s22] =	ssyncadd.s32 s5;
	_ =	sdelay $0x1  }
0xa2: {  	s23 =	simm.s32 $0x1B8B  }
0xa3: {  	_ =	swait.ge [sflag:s23], $0x1  }
0xa4: {  	[sflag:s23] =	ssyncset.done $0x0  }
0xa5: {  	s25 =	simm.s32 $0x1B8E;
	s24 =	sld [smem:$0x3FFE];
	[sflag:s23] =	ssyncadd.s32 $0xFFFFFFFF  }
0xa6: {  	s26 =	simm.s32 $execute0_lowered;
	[smem:$0x3FD2] =	sst s25  }
0xa7: {  	s6 =	sshll.u32 s26, $0x1;
	_ =	strace $0x80000046;
	[dreg:$0x1] =	wrdreg $0xFFFFFFFF  }
0xa8: {  	s28 =	simm.s32 $_size_execute0_lowered;
	s4 =	sadd.s32 s4, s6;
	[dreg:$0x0] =	wrdreg $0x0  }
0xa9: {  	s6 =	sshll.u32 s28, $0x1;
	[dreg:$0x2] =	wrdreg s4  }
0xaa: {  	[dreg:$0x3] =	wrdreg s6  }
0xab: {  	[dreg:$0x4] =	wrdreg $0xC0  }
0xac: {  	_ =	task [dreg:s8], $0x5FFFF  }
0xad: {  	[dreg:$0x1] =	wrdreg $0xFFFFFFFF  }
0xae: {  	[dreg:$0x0] =	wrdreg $0x60  }
0xaf: {  	[dreg:$0x2] =	wrdreg s2  }
0xb0: {  	[dreg:$0x3] =	wrdreg s18  }
0xb1: {  	[dreg:$0x4] =	wrdreg s24  }
0xb2: {  	[dreg:$0x5] =	wrdreg $0x84000  }
0xb3: {  	[dreg:$0x6] =	wrdreg $0x9  }
0xb4: {  	_ =	task.clear_ibuf [dreg:s8], $0x7FFFF;
	_ =	strace $0x90000046  }
0xb5: {  	s29 =	simm.s32 $0x9;
	_ =	strace $0x80000048  }
0xb6: {  	_ =	swait.ge [sflag:s29], $0x1  }
0xb7: {  	[sflag:s29] =	ssyncadd.s32 $0xFFFFFFFF  }
0xb8: {  	_ =	strace $0x90000048  }
0xb9: {  	_ =	sfence  }
0xba: {  	s30 =	sld [smem:$0x0];
	_ =	sdelay $0x2  }
0xbb: {  	s31 =	sshll.u32 s1, $0xD;
	s1 =	sshrl.u32 s1, $0x2  }
0xbc: {  	s3 =	sand.u32 $0x4000, s31;
	s1 =	sadd.s32 s1, s30  }
0xbd: {  	s0 =	sor.u32 s3, s0;
	s1 =	sshll.u32 s1, $0x11  }
0xbe: {  	s0 =	sor.u32 s1, s0  }
0xbf: {  	s0 =	sadd.s32 $0x8F2B, s0  }
0xc0: {  	[sflag:s0] =	ssyncadd.remote.s32 $0x1  }
0xc1: {  	_ =	sfence.sel $0xFFFF  }
0xc2: {  	[dreg:$0x0] =	wrdreg $0xFFFFFFFF;
	(pc) =	sbr.abs _section_cstart, $3  }
0xc3: {  	[dreg:$0x1] =	wrdreg $0xFFFFFFFF  }
0xc4: {  	_ =	task.clear_ibuf [dreg:s8], $0x2FFFF;
	_ =	strace $0x9FFFFFFF  }
0xc5: {  	(tm) =	ssettm $0x7FFFFFFF  }
tec
execute0_lowered:
.L_overlay_start_1:
0x0: {  	(tag) =	ssettag $0x1  }
0x1: {  	s1 =	rddreg [dreg:$0x0]  }
0x2: {  	s2 =	rddreg [dreg:$0x1]  }
0x3: {  	s0 =	rddreg [dreg:$0x2]  }
0x4: {  	s3 =	rddreg [dreg:$0x3]  }
0x5: {  	s4 =	srdreg.scid;
	s12 =	stileid.u32  }
0x6: {  	s5 =	simm.s32 $0x0;
	s31 =	simm.s32 $0x400;
	s8 =	smul.u32 $0x14000, s12  }
0x7: {  	s4 =	sand.u32 $0x1, s4;
	[smem:$0x7FF] =	sst s5;
	s24 =	smul.u32 $0x50000, s12  }
0x8: {  	s6 =	sadd.s32 $0xA00, s0;
	s9 =	sshll.u32 s12, $0x1;
	s18 =	smul.u32 $0xA00, s12  }
0x9: {  	s12 =	simm.s32 $0x380;
	s7 =	smul.u32 $0x140000, s4;
	_ =	strace $0x80000047  }
0xa: {  	s23 =	sor.u32 s4, s9;
	s10 =	ssub.s32 $0x2, s4;
	s4 =	smul.u32 $0x500, s4  }
0xb: {  	s11 =	smul.u32 $0x500, s23;
	s25 =	sshrl.u32 s10, $0x1;
	s9 =	sshrl.u32 s24, $0x2  }
0xc: {  	s7 =	sadd.s32 s8, s7;
	s10 =	ssub.s32 s10, s25;
	s8 =	smul.u32 $0x2800, s23  }
0xd: {  	s4 =	sadd.s32 s4, s18;
	s18 =	simm.s32 $0x3;
	s7 =	sshrl.u32 s7, $0x3  }
0xe: {  	s26 =	sadd.s32 s2, s11;
	s28 =	sadd.s32 s6, s11;
	[dreg:$0x5] =	wrdreg s4  }
0xf: {  	s29 =	sor.u32 $0x10, s11;
	s30 =	sor.u32 $0x20, s11;
	[dreg:$0x6] =	wrdreg s26  }
0x10: {  	s11 =	sor.u32 $0x30, s11;
	s25 =	smax.u32 s10, $0x1;
	[dreg:$0x7] =	wrdreg s28  }
0x11: {  	s0 =	sadd.s32 s7, s0;
	s13 =	sadd.s32 s2, s29;
	[dreg:$0x17] =	wrdreg s25  }
0x12: {  	s7 =	sadd.s32 s9, s3;
	s9 =	sadd.s32 s6, s29;
	[dreg:$0x8] =	wrdreg s13  }
0x13: {  	s4 =	simm.s32 $0x200;
	s14 =	sadd.s32 s2, s30;
	[dreg:$0x9] =	wrdreg s9  }
0x14: {  	s10 =	simm.s32 $0x300;
	s15 =	sadd.s32 s2, s11;
	[dreg:$0xa] =	wrdreg s14  }
0x15: {  	s8 =	sshrl.u32 s8, $0x3;
	s11 =	sadd.s32 s6, s11;
	[dreg:$0xc] =	wrdreg s15  }
0x16: {  	s9 =	sadd.s32 s6, s30;
	s16 =	sadd.s32 $0x4C0, s8;
	[dreg:$0xd] =	wrdreg s11  }
0x17: {  	s19 =	sadd.s32 $0x4D0, s8;
	s0 =	sadd.s32 $0xAA00, s0;
	[dreg:$0xb] =	wrdreg s9  }
0x18: {  	s21 =	sadd.s32 $0x4E0, s8;
	s26 =	sadd.s32 $0x4000, s7;
	[dreg:$0x16] =	wrdreg s0  }
0x19: {  	s8 =	sadd.s32 $0x4F0, s8;
	s28 =	sadd.s32 $0x8000, s7;
	[dreg:$0x18] =	wrdreg s26  }
0x1a: {  	s29 =	sadd.s32 $0xC000, s7;
	s30 =	sadd.s32 $0x10000, s7;
	[dreg:$0x19] =	wrdreg s28  }
0x1b: {  	s11 =	simm.s32 $0x100;
	s13 =	simm.s32 $0x180;
	[dreg:$0x1a] =	wrdreg s29  }
0x1c: {  	s14 =	simm.s32 $0x1;
	s17 =	sadd.s32 s2, s16;
	[dreg:$0x1b] =	wrdreg s30  }
0x1d: {  	s15 =	simm.s32 $0x2;
	s9 =	sadd.s32 s6, s16;
	[dreg:$0xe] =	wrdreg s17  }
0x1e: {  	s20 =	sadd.s32 s2, s19;
	s22 =	sadd.s32 s2, s21;
	[dreg:$0xf] =	wrdreg s9  }
0x1f: {  	s23 =	sadd.s32 s2, s8;
	s24 =	sadd.s32 s6, s8;
	[dreg:$0x10] =	wrdreg s20  }
0x20: {  	s0 =	simm.s32 $0x7;
	s8 =	simm.s32 $0x280;
	[dreg:$0x12] =	wrdreg s22  }
0x21: {  	s16 =	simm.s32 $0x4400;
	s9 =	sadd.s32 s6, s19;
	[dreg:$0x14] =	wrdreg s23  }
0x22: {  	[dreg:$0x15] =	wrdreg s24;
	s17 =	simm.s32 $0x5;
	s19 =	simm.s32 $0x6  }
0x23: {  	s20 =	simm.s32 $0x4;
	[dreg:$0x11] =	wrdreg s9;
	s9 =	sadd.s32 s6, s21  }
0x24: {  	v0 =	vimm.f32 $0.0e+00;
	s21 =	simm.s32 $0x0;
	[dreg:$0x13] =	wrdreg s9;
	s9 =	simm.s32 $0x80  }
.LBB2_1:
0x25: {  	s22 =	simm.s32 $0x0;
	s23 =	simm.s32 $0x200  }
.LBB2_2:
0x26: {  	p0 =	sne.s32 s23, $0xFE00;
	[tilespmem:s22+$0x470] =	vst v0  }
0x27: {  	[tilespmem:s22+$0x400] =	vst v0  }
0x28: {  	[tilespmem:s22+$0x410] =	vst v0  }
.Ltmp0:
0x29: {  	[tilespmem:s22+$0x420] =	vst v0;
	(pc) =	sbr.rel @p0 .LBB2_2-.Ltmp0, $4  }
0x2a: {  	[tilespmem:s22+$0x430] =	vst v0  }
0x2b: {  	[tilespmem:s22+$0x440] =	vst v0  }
0x2c: {  	[tilespmem:s22+$0x450] =	vst v0  }
0x2d: {  	[tilespmem:s22+$0x460] =	vst v0;
	s22 =	sshra.s32 s23, $0x2;
	s23 =	sadd.s32 $0x200, s23  }
0x2e: {  	[tilespmem:s22+$0x470] =	vst v0  }
0x2f: {  	[tilespmem:s22+$0x400] =	vst v0  }
0x30: {  	[tilespmem:s22+$0x410] =	vst v0  }
0x31: {  	[tilespmem:s22+$0x420] =	vst v0  }
0x32: {  	[tilespmem:s22+$0x430] =	vst v0  }
0x33: {  	[tilespmem:s22+$0x440] =	vst v0  }
0x34: {  	[tilespmem:s22+$0x450] =	vst v0  }
0x35: {  	[tilespmem:s22+$0x460] =	vst v0  }
0x36: {  	[spmem:s7] =	stream.linear.scatter [tilespmem:s31], [sflag:$0x7], $0x4000, $0x38;
	[tilespmem:$0x1C400] =	vst v63  }
0x37: {  	_ =	swait.ge [sflag:s0], $0x4000  }
0x38: {  	[sflag:s0] =	ssyncset.done $0x0  }
0x39: {  	s26 =	rddreg [dreg:$0x18];
	[sflag:s0] =	ssyncadd.s32 $0xFFFFC000  }
0x3a: {  	[spmem:s26] =	stream.linear.scatter [tilespmem:s31], [sflag:$0x7], $0x4000, $0x38;
	[tilespmem:$0x1C400] =	vst v63  }
0x3b: {  	_ =	swait.ge [sflag:s0], $0x4000  }
0x3c: {  	[sflag:s0] =	ssyncset.done $0x0  }
0x3d: {  	s28 =	rddreg [dreg:$0x19];
	[sflag:s0] =	ssyncadd.s32 $0xFFFFC000  }
0x3e: {  	[spmem:s28] =	stream.linear.scatter [tilespmem:s31], [sflag:$0x7], $0x4000, $0x38;
	[tilespmem:$0x1C400] =	vst v63  }
0x3f: {  	_ =	swait.ge [sflag:s0], $0x4000  }
0x40: {  	[sflag:s0] =	ssyncset.done $0x0  }
0x41: {  	s29 =	rddreg [dreg:$0x1a];
	[sflag:s0] =	ssyncadd.s32 $0xFFFFC000  }
0x42: {  	[spmem:s29] =	stream.linear.scatter [tilespmem:s31], [sflag:$0x7], $0x4000, $0x38;
	[tilespmem:$0x1C400] =	vst v63  }
0x43: {  	_ =	swait.ge [sflag:s0], $0x4000  }
0x44: {  	[sflag:s0] =	ssyncset.done $0x0  }
0x45: {  	s30 =	rddreg [dreg:$0x1b];
	[sflag:s0] =	ssyncadd.s32 $0xFFFFC000  }
0x46: {  	[spmem:s30] =	stream.linear.scatter [tilespmem:s31], [sflag:$0x7], $0x4000, $0x38;
	[tilespmem:$0x1C400] =	vst v63  }
0x47: {  	_ =	swait.ge [sflag:s0], $0x4000  }
0x48: {  	[sflag:s0] =	ssyncset.done $0x0  }
0x49: {  	[sflag:s0] =	ssyncadd.s32 $0xFFFFC000  }
0x4a: {  	[bflag:$0x0] =	sbarrier.arrive $0xFFFF  }
0x4b: {  	s23 =	rddreg [dreg:$0x6]  }
0x4c: {  	[tilespmem:s4], [sflag:$0x1] =	stream.linear.gather [hbm4b:s23+s5], $0x80, $0x38;
	[tilespmem:$0x1C400] =	vst v63  }
0x4d: {  	s24 =	rddreg [dreg:$0x7]  }
0x4e: {  	[tilespmem:s5], [sflag:$0x1] =	stream.linear.gather [hbm4b:s24+s5], $0x80, $0x38;
	[tilespmem:$0x1C400] =	vst v63  }
0x4f: {  	s25 =	rddreg [dreg:$0x8]  }
0x50: {  	[tilespmem:s8], [sflag:$0x2] =	stream.linear.gather [hbm4b:s25+s5], $0x80, $0x38;
	[tilespmem:$0x1C400] =	vst v63  }
0x51: {  	s26 =	rddreg [dreg:$0x9]  }
0x52: {  	[tilespmem:s9], [sflag:$0x2] =	stream.linear.gather [hbm4b:s26+s5], $0x80, $0x38;
	[tilespmem:$0x1C400] =	vst v63  }
0x53: {  	s28 =	rddreg [dreg:$0xa]  }
0x54: {  	[tilespmem:s10], [sflag:$0x3] =	stream.linear.gather [hbm4b:s28+s5], $0x80, $0x38;
	[tilespmem:$0x1C400] =	vst v63  }
0x55: {  	s29 =	rddreg [dreg:$0xb]  }
0x56: {  	[tilespmem:s11], [sflag:$0x3] =	stream.linear.gather [hbm4b:s29+s5], $0x80, $0x38;
	[tilespmem:$0x1C400] =	vst v63  }
0x57: {  	s30 =	rddreg [dreg:$0xc]  }
0x58: {  	[tilespmem:s12], [sflag:$0x4] =	stream.linear.gather [hbm4b:s30+s5], $0x80, $0x38;
	[tilespmem:$0x1C400] =	vst v63  }
0x59: {  	s23 =	rddreg [dreg:$0xd]  }
0x5a: {  	[tilespmem:s13], [sflag:$0x4] =	stream.linear.gather [hbm4b:s23+s5], $0x80, $0x38;
	[tilespmem:$0x1C400] =	vst v63  }
0x5b: {  	_ =	swait.ge [sflag:s14], $0x80  }
0x5c: {  	[sflag:s14] =	ssyncset.done $0x0  }
0x5d: {  	[sflag:s14] =	ssyncadd.s32 $0xFFFFFF80  }
0x5e: {  	_ =	swait.ge [sflag:s14], $0x80  }
0x5f: {  	[sflag:s14] =	ssyncset.done $0x0  }
0x60: {  	[sflag:s14] =	ssyncadd.s32 $0xFFFFFF80  }
0x61: {  	[tilespmem:s31], [sflag:$0x5] =	stream.indirect.gather [hbm4b:s1+s9], $0x80, s5, s9, $0xb8;
	[tilespmem:$0x1C400] =	vst v63  }
0x62: {  	_ =	swait.ge [sflag:s15], $0x80  }
0x63: {  	[sflag:s15] =	ssyncset.done $0x0  }
0x64: {  	[sflag:s15] =	ssyncadd.s32 $0xFFFFFF80  }
0x65: {  	_ =	swait.ge [sflag:s15], $0x80  }
0x66: {  	[sflag:s15] =	ssyncset.done $0x0  }
0x67: {  	[sflag:s15] =	ssyncadd.s32 $0xFFFFFF80  }
0x68: {  	[tilespmem:s16], [sflag:$0x6] =	stream.indirect.gather [hbm4b:s1+s9], $0x80, s9, s9, $0xb8;
	[tilespmem:$0x1C400] =	vst v63  }
0x69: {  	_ =	swait.ge [sflag:s17], $0x4000  }
0x6a: {  	[sflag:s17] =	ssyncset.done $0x0  }
0x6b: {  	[sflag:s17] =	ssyncadd.s32 $0xFFFFC000  }
0x6c: {  	[spmem:s3] =	stream.indirect.scatter.add.f32 [tilespmem:s31], [sflag:$0x7], $0x80, s4, s9, $0xb8;
	[tilespmem:$0x1C400] =	vst v63  }
0x6d: {  	_ =	swait.ge [sflag:s0], $0x4000  }
0x6e: {  	s24 =	rddreg [dreg:$0x5]  }
0x6f: {  	s22 =	sadd.s32 $0x70, s24  }
0x70: {  	s24 =	simm.s32 $0x40;
	s23 =	sadd.s32 $0xFFFFFFD0, s22  }
0x71: {  	s24 =	sand.u32 $0x40, s24;
	s23 =	sand.u32 $0xFFFFF80, s23  }
0x72: {  	[sflag:s0] =	ssyncset.done $0x0;
	s23 =	sor.u32 s24, s23  }
0x73: {  	[sflag:s0] =	ssyncadd.s32 $0xFFFFC000;
	s24 =	sadd.s32 s2, s23  }
0x74: {  	[tilespmem:s4], [sflag:$0x1] =	stream.linear.gather [hbm4b:s24+s5], $0x80, $0x38;
	[tilespmem:$0x1C400] =	vst v63  }
0x75: {  	s23 =	sadd.s32 s6, s23  }
0x76: {  	[tilespmem:s5], [sflag:$0x1] =	stream.linear.gather [hbm4b:s23+s5], $0x80, $0x38;
	[tilespmem:$0x1C400] =	vst v63  }
0x77: {  	_ =	swait.ge [sflag:s18], $0x80  }
0x78: {  	[sflag:s18] =	ssyncset.done $0x0  }
0x79: {  	[sflag:s18] =	ssyncadd.s32 $0xFFFFFF80  }
0x7a: {  	_ =	swait.ge [sflag:s18], $0x80  }
0x7b: {  	[sflag:s18] =	ssyncset.done $0x0  }
0x7c: {  	[sflag:s18] =	ssyncadd.s32 $0xFFFFFF80  }
0x7d: {  	[tilespmem:s31], [sflag:$0x5] =	stream.indirect.gather [hbm4b:s1+s9], $0x80, s11, s9, $0xb8;
	[tilespmem:$0x1C400] =	vst v63  }
0x7e: {  	_ =	swait.ge [sflag:s19], $0x4000  }
0x7f: {  	[sflag:s19] =	ssyncset.done $0x0  }
0x80: {  	s25 =	simm.s32 $0x50;
	s26 =	sadd.s32 $0xFFFFFFE0, s22;
	[sflag:s19] =	ssyncadd.s32 $0xFFFFC000  }
0x81: {  	[spmem:s3] =	stream.indirect.scatter.add.f32 [tilespmem:s16], [sflag:$0x7], $0x80, s8, s9, $0xb8;
	[tilespmem:$0x1C400] =	vst v63  }
0x82: {  	s24 =	sand.u32 $0xFFFFF80, s26;
	s23 =	sand.u32 $0x50, s25;
	_ =	swait.ge [sflag:s0], $0x4000  }
0x83: {  	s23 =	sor.u32 s23, s24;
	[sflag:s0] =	ssyncset.done $0x0  }
0x84: {  	s24 =	sadd.s32 s2, s23;
	[sflag:s0] =	ssyncadd.s32 $0xFFFFC000  }
0x85: {  	[tilespmem:s8], [sflag:$0x2] =	stream.linear.gather [hbm4b:s24+s5], $0x80, $0x38;
	[tilespmem:$0x1C400] =	vst v63  }
0x86: {  	s23 =	sadd.s32 s6, s23  }
0x87: {  	[tilespmem:s9], [sflag:$0x2] =	stream.linear.gather [hbm4b:s23+s5], $0x80, $0x38;
	[tilespmem:$0x1C400] =	vst v63  }
0x88: {  	_ =	swait.ge [sflag:s20], $0x80  }
0x89: {  	[sflag:s20] =	ssyncset.done $0x0  }
0x8a: {  	[sflag:s20] =	ssyncadd.s32 $0xFFFFFF80  }
0x8b: {  	_ =	swait.ge [sflag:s20], $0x80  }
0x8c: {  	[sflag:s20] =	ssyncset.done $0x0  }
0x8d: {  	[sflag:s20] =	ssyncadd.s32 $0xFFFFFF80  }
0x8e: {  	[tilespmem:s16], [sflag:$0x6] =	stream.indirect.gather [hbm4b:s1+s9], $0x80, s13, s9, $0xb8;
	[tilespmem:$0x1C400] =	vst v63  }
0x8f: {  	_ =	swait.ge [sflag:s17], $0x4000  }
0x90: {  	[sflag:s17] =	ssyncset.done $0x0  }
0x91: {  	s29 =	simm.s32 $0x60;
	s28 =	sadd.s32 $0xFFFFFFF0, s22;
	[sflag:s17] =	ssyncadd.s32 $0xFFFFC000  }
0x92: {  	[spmem:s3] =	stream.indirect.scatter.add.f32 [tilespmem:s31], [sflag:$0x7], $0x80, s10, s9, $0xb8;
	[tilespmem:$0x1C400] =	vst v63  }
0x93: {  	s24 =	sand.u32 $0x60, s29;
	s23 =	sand.u32 $0xFFFFF80, s28;
	_ =	swait.ge [sflag:s0], $0x4000  }
0x94: {  	s23 =	sor.u32 s24, s23;
	[sflag:s0] =	ssyncset.done $0x0  }
0x95: {  	s24 =	sadd.s32 s2, s23;
	[sflag:s0] =	ssyncadd.s32 $0xFFFFC000  }
0x96: {  	[tilespmem:s10], [sflag:$0x3] =	stream.linear.gather [hbm4b:s24+s5], $0x80, $0x38;
	[tilespmem:$0x1C400] =	vst v63  }
0x97: {  	s23 =	sadd.s32 s6, s23  }
0x98: {  	[tilespmem:s11], [sflag:$0x3] =	stream.linear.gather [hbm4b:s23+s5], $0x80, $0x38;
	[tilespmem:$0x1C400] =	vst v63  }
0x99: {  	_ =	swait.ge [sflag:s14], $0x80  }
0x9a: {  	[sflag:s14] =	ssyncset.done $0x0  }
0x9b: {  	[sflag:s14] =	ssyncadd.s32 $0xFFFFFF80  }
0x9c: {  	_ =	swait.ge [sflag:s14], $0x80  }
0x9d: {  	[sflag:s14] =	ssyncset.done $0x0  }
0x9e: {  	[sflag:s14] =	ssyncadd.s32 $0xFFFFFF80  }
0x9f: {  	[tilespmem:s31], [sflag:$0x5] =	stream.indirect.gather [hbm4b:s1+s9], $0x80, s5, s9, $0xb8;
	[tilespmem:$0x1C400] =	vst v63  }
0xa0: {  	_ =	swait.ge [sflag:s19], $0x4000  }
0xa1: {  	[sflag:s19] =	ssyncset.done $0x0  }
0xa2: {  	s30 =	simm.s32 $0x70;
	[sflag:s19] =	ssyncadd.s32 $0xFFFFC000  }
0xa3: {  	[spmem:s3] =	stream.indirect.scatter.add.f32 [tilespmem:s16], [sflag:$0x7], $0x80, s12, s9, $0xb8;
	[tilespmem:$0x1C400] =	vst v63  }
0xa4: {  	s22 =	sand.u32 $0xFFFFF80, s22;
	s23 =	sand.u32 $0x70, s30;
	_ =	swait.ge [sflag:s0], $0x4000  }
0xa5: {  	s22 =	sor.u32 s23, s22;
	[sflag:s0] =	ssyncset.done $0x0  }
0xa6: {  	s23 =	sadd.s32 s2, s22;
	[sflag:s0] =	ssyncadd.s32 $0xFFFFC000  }
0xa7: {  	[tilespmem:s12], [sflag:$0x4] =	stream.linear.gather [hbm4b:s23+s5], $0x80, $0x38;
	[tilespmem:$0x1C400] =	vst v63  }
0xa8: {  	s22 =	sadd.s32 s6, s22  }
0xa9: {  	[tilespmem:s13], [sflag:$0x4] =	stream.linear.gather [hbm4b:s22+s5], $0x80, $0x38;
	[tilespmem:$0x1C400] =	vst v63  }
0xaa: {  	_ =	swait.ge [sflag:s15], $0x80  }
0xab: {  	[sflag:s15] =	ssyncset.done $0x0  }
0xac: {  	[sflag:s15] =	ssyncadd.s32 $0xFFFFFF80  }
0xad: {  	_ =	swait.ge [sflag:s15], $0x80  }
0xae: {  	[sflag:s15] =	ssyncset.done $0x0  }
0xaf: {  	s22 =	simm.s32 $0xB0;
	[sflag:s15] =	ssyncadd.s32 $0xFFFFFF80  }
.LBB2_4:
0xb0: {  	[tilespmem:s16], [sflag:$0x6] =	stream.indirect.gather [hbm4b:s1+s9], $0x80, s9, s9, $0xb8;
	[tilespmem:$0x1C400] =	vst v63  }
0xb1: {  	_ =	swait.ge [sflag:s17], $0x4000  }
0xb2: {  	[sflag:s17] =	ssyncset.done $0x0  }
0xb3: {  	[sflag:s17] =	ssyncadd.s32 $0xFFFFC000  }
0xb4: {  	[spmem:s3] =	stream.indirect.scatter.add.f32 [tilespmem:s31], [sflag:$0x7], $0x80, s4, s9, $0xb8;
	[tilespmem:$0x1C400] =	vst v63  }
0xb5: {  	_ =	swait.ge [sflag:s0], $0x4000  }
0xb6: {  	s23 =	smov.u32 s22;
	s24 =	rddreg [dreg:$0x5]  }
0xb7: {  	s29 =	sadd.s32 $0xFFFFFFD0, s23;
	s25 =	sadd.s32 s23, s24  }
0xb8: {  	s29 =	sand.u32 $0x40, s29;
	s28 =	sadd.s32 $0xFFFFFFD0, s25  }
0xb9: {  	[sflag:s0] =	ssyncset.done $0x0;
	s24 =	sadd.s32 $0xFFFFFFE0, s23;
	s28 =	sand.u32 $0xFFFFF80, s28  }
0xba: {  	[sflag:s0] =	ssyncadd.s32 $0xFFFFC000;
	s30 =	sadd.s32 $0xFFFFFFE0, s25;
	s28 =	sor.u32 s29, s28  }
0xbb: {  	s24 =	sand.u32 $0x50, s24;
	s30 =	sand.u32 $0xFFFFF80, s30;
	s29 =	sadd.s32 s2, s28  }
0xbc: {  	[tilespmem:s4], [sflag:$0x1] =	stream.linear.gather [hbm4b:s29+s5], $0x80, $0x38;
	[tilespmem:$0x1C400] =	vst v63  }
0xbd: {  	s30 =	sor.u32 s24, s30;
	s24 =	sadd.s32 s6, s28  }
0xbe: {  	[tilespmem:s5], [sflag:$0x1] =	stream.linear.gather [hbm4b:s24+s5], $0x80, $0x38;
	[tilespmem:$0x1C400] =	vst v63  }
0xbf: {  	_ =	swait.ge [sflag:s18], $0x80  }
0xc0: {  	[sflag:s18] =	ssyncset.done $0x0  }
0xc1: {  	[sflag:s18] =	ssyncadd.s32 $0xFFFFFF80  }
0xc2: {  	_ =	swait.ge [sflag:s18], $0x80  }
0xc3: {  	[sflag:s18] =	ssyncset.done $0x0  }
0xc4: {  	[sflag:s18] =	ssyncadd.s32 $0xFFFFFF80  }
0xc5: {  	[tilespmem:s31], [sflag:$0x5] =	stream.indirect.gather [hbm4b:s1+s9], $0x80, s11, s9, $0xb8;
	[tilespmem:$0x1C400] =	vst v63  }
0xc6: {  	_ =	swait.ge [sflag:s19], $0x4000  }
0xc7: {  	s26 =	sand.u32 $0x70, s23;
	[sflag:s19] =	ssyncset.done $0x0  }
0xc8: {  	s23 =	sadd.s32 $0xFFFFFFF0, s23;
	s29 =	sadd.s32 $0xFFFFFFF0, s25;
	[sflag:s19] =	ssyncadd.s32 $0xFFFFC000  }
0xc9: {  	[spmem:s3] =	stream.indirect.scatter.add.f32 [tilespmem:s16], [sflag:$0x7], $0x80, s8, s9, $0xb8;
	[tilespmem:$0x1C400] =	vst v63  }
0xca: {  	s23 =	sand.u32 $0x60, s23;
	s29 =	sand.u32 $0xFFFFF80, s29;
	_ =	swait.ge [sflag:s0], $0x4000  }
0xcb: {  	s25 =	sand.u32 $0xFFFFF80, s25;
	s24 =	sor.u32 s23, s29;
	[sflag:s0] =	ssyncset.done $0x0  }
0xcc: {  	s23 =	sor.u32 s26, s25;
	s26 =	sadd.s32 s2, s30;
	[sflag:s0] =	ssyncadd.s32 $0xFFFFC000  }
0xcd: {  	[tilespmem:s8], [sflag:$0x2] =	stream.linear.gather [hbm4b:s26+s5], $0x80, $0x38;
	[tilespmem:$0x1C400] =	vst v63  }
0xce: {  	s28 =	sadd.s32 s6, s30  }
0xcf: {  	[tilespmem:s9], [sflag:$0x2] =	stream.linear.gather [hbm4b:s28+s5], $0x80, $0x38;
	[tilespmem:$0x1C400] =	vst v63  }
0xd0: {  	_ =	swait.ge [sflag:s20], $0x80  }
0xd1: {  	[sflag:s20] =	ssyncset.done $0x0  }
0xd2: {  	[sflag:s20] =	ssyncadd.s32 $0xFFFFFF80  }
0xd3: {  	_ =	swait.ge [sflag:s20], $0x80  }
0xd4: {  	[sflag:s20] =	ssyncset.done $0x0  }
0xd5: {  	[sflag:s20] =	ssyncadd.s32 $0xFFFFFF80  }
0xd6: {  	[tilespmem:s16], [sflag:$0x6] =	stream.indirect.gather [hbm4b:s1+s9], $0x80, s13, s9, $0xb8;
	[tilespmem:$0x1C400] =	vst v63  }
0xd7: {  	_ =	swait.ge [sflag:s17], $0x4000  }
0xd8: {  	[sflag:s17] =	ssyncset.done $0x0  }
0xd9: {  	[sflag:s17] =	ssyncadd.s32 $0xFFFFC000  }
0xda: {  	[spmem:s3] =	stream.indirect.scatter.add.f32 [tilespmem:s31], [sflag:$0x7], $0x80, s10, s9, $0xb8;
	[tilespmem:$0x1C400] =	vst v63  }
0xdb: {  	_ =	swait.ge [sflag:s0], $0x4000  }
0xdc: {  	[sflag:s0] =	ssyncset.done $0x0  }
0xdd: {  	s29 =	sadd.s32 s2, s24;
	[sflag:s0] =	ssyncadd.s32 $0xFFFFC000  }
0xde: {  	[tilespmem:s10], [sflag:$0x3] =	stream.linear.gather [hbm4b:s29+s5], $0x80, $0x38;
	[tilespmem:$0x1C400] =	vst v63  }
0xdf: {  	s24 =	sadd.s32 s6, s24  }
0xe0: {  	[tilespmem:s11], [sflag:$0x3] =	stream.linear.gather [hbm4b:s24+s5], $0x80, $0x38;
	[tilespmem:$0x1C400] =	vst v63  }
0xe1: {  	_ =	swait.ge [sflag:s14], $0x80  }
0xe2: {  	[sflag:s14] =	ssyncset.done $0x0  }
0xe3: {  	[sflag:s14] =	ssyncadd.s32 $0xFFFFFF80  }
0xe4: {  	_ =	swait.ge [sflag:s14], $0x80  }
0xe5: {  	[sflag:s14] =	ssyncset.done $0x0  }
0xe6: {  	[sflag:s14] =	ssyncadd.s32 $0xFFFFFF80  }
0xe7: {  	[tilespmem:s31], [sflag:$0x5] =	stream.indirect.gather [hbm4b:s1+s9], $0x80, s5, s9, $0xb8;
	[tilespmem:$0x1C400] =	vst v63  }
0xe8: {  	_ =	swait.ge [sflag:s19], $0x4000  }
0xe9: {  	[sflag:s19] =	ssyncset.done $0x0  }
0xea: {  	[sflag:s19] =	ssyncadd.s32 $0xFFFFC000  }
0xeb: {  	[spmem:s3] =	stream.indirect.scatter.add.f32 [tilespmem:s16], [sflag:$0x7], $0x80, s12, s9, $0xb8;
	[tilespmem:$0x1C400] =	vst v63  }
0xec: {  	_ =	swait.ge [sflag:s0], $0x4000  }
0xed: {  	[sflag:s0] =	ssyncset.done $0x0  }
0xee: {  	s30 =	sadd.s32 s2, s23;
	[sflag:s0] =	ssyncadd.s32 $0xFFFFC000  }
0xef: {  	[tilespmem:s12], [sflag:$0x4] =	stream.linear.gather [hbm4b:s30+s5], $0x80, $0x38;
	[tilespmem:$0x1C400] =	vst v63  }
0xf0: {  	s23 =	sadd.s32 s6, s23  }
0xf1: {  	[tilespmem:s13], [sflag:$0x4] =	stream.linear.gather [hbm4b:s23+s5], $0x80, $0x38;
	[tilespmem:$0x1C400] =	vst v63  }
0xf2: {  	p0 =	sne.s32 s22, $0x4B0;
	_ =	swait.ge [sflag:s15], $0x80  }
.Ltmp1:
0xf3: {  	[sflag:s15] =	ssyncset.done $0x0;
	(pc) =	sbr.rel @p0 .LBB2_4-.Ltmp1, $4  }
0xf4: {  	[sflag:s15] =	ssyncadd.s32 $0xFFFFFF80  }
0xf5: {  	_ =	swait.ge [sflag:s15], $0x80  }
0xf6: {  	[sflag:s15] =	ssyncset.done $0x0  }
0xf7: {  	s22 =	sadd.s32 $0x40, s22;
	[sflag:s15] =	ssyncadd.s32 $0xFFFFFF80  }
0xf8: {  	[tilespmem:s16], [sflag:$0x6] =	stream.indirect.gather [hbm4b:s1+s9], $0x80, s9, s9, $0xb8;
	[tilespmem:$0x1C400] =	vst v63  }
0xf9: {  	_ =	swait.ge [sflag:s17], $0x4000  }
0xfa: {  	[sflag:s17] =	ssyncset.done $0x0  }
0xfb: {  	[sflag:s17] =	ssyncadd.s32 $0xFFFFC000  }
0xfc: {  	[spmem:s3] =	stream.indirect.scatter.add.f32 [tilespmem:s31], [sflag:$0x7], $0x80, s4, s9, $0xb8;
	[tilespmem:$0x1C400] =	vst v63  }
0xfd: {  	_ =	swait.ge [sflag:s0], $0x4000  }
0xfe: {  	[sflag:s0] =	ssyncset.done $0x0  }
0xff: {  	s22 =	rddreg [dreg:$0xe];
	[sflag:s0] =	ssyncadd.s32 $0xFFFFC000  }
0x100: {  	[tilespmem:s4], [sflag:$0x1] =	stream.linear.gather [hbm4b:s22+s5], $0x80, $0x38;
	[tilespmem:$0x1C400] =	vst v63  }
0x101: {  	s29 =	rddreg [dreg:$0xf]  }
0x102: {  	[tilespmem:s5], [sflag:$0x1] =	stream.linear.gather [hbm4b:s29+s5], $0x80, $0x38;
	[tilespmem:$0x1C400] =	vst v63  }
0x103: {  	_ =	swait.ge [sflag:s18], $0x80  }
0x104: {  	[sflag:s18] =	ssyncset.done $0x0  }
0x105: {  	[sflag:s18] =	ssyncadd.s32 $0xFFFFFF80  }
0x106: {  	_ =	swait.ge [sflag:s18], $0x80  }
0x107: {  	[sflag:s18] =	ssyncset.done $0x0  }
0x108: {  	[sflag:s18] =	ssyncadd.s32 $0xFFFFFF80  }
0x109: {  	[tilespmem:s31], [sflag:$0x5] =	stream.indirect.gather [hbm4b:s1+s9], $0x80, s11, s9, $0xb8;
	[tilespmem:$0x1C400] =	vst v63  }
0x10a: {  	_ =	swait.ge [sflag:s19], $0x4000  }
0x10b: {  	[sflag:s19] =	ssyncset.done $0x0  }
0x10c: {  	[sflag:s19] =	ssyncadd.s32 $0xFFFFC000  }
0x10d: {  	[spmem:s3] =	stream.indirect.scatter.add.f32 [tilespmem:s16], [sflag:$0x7], $0x80, s8, s9, $0xb8;
	[tilespmem:$0x1C400] =	vst v63  }
0x10e: {  	_ =	swait.ge [sflag:s0], $0x4000  }
0x10f: {  	[sflag:s0] =	ssyncset.done $0x0  }
0x110: {  	s30 =	rddreg [dreg:$0x10];
	[sflag:s0] =	ssyncadd.s32 $0xFFFFC000  }
0x111: {  	[tilespmem:s8], [sflag:$0x2] =	stream.linear.gather [hbm4b:s30+s5], $0x80, $0x38;
	[tilespmem:$0x1C400] =	vst v63  }
0x112: {  	s23 =	rddreg [dreg:$0x11]  }
0x113: {  	[tilespmem:s9], [sflag:$0x2] =	stream.linear.gather [hbm4b:s23+s5], $0x80, $0x38;
	[tilespmem:$0x1C400] =	vst v63  }
0x114: {  	_ =	swait.ge [sflag:s20], $0x80  }
0x115: {  	[sflag:s20] =	ssyncset.done $0x0  }
0x116: {  	[sflag:s20] =	ssyncadd.s32 $0xFFFFFF80  }
0x117: {  	_ =	swait.ge [sflag:s20], $0x80  }
0x118: {  	[sflag:s20] =	ssyncset.done $0x0  }
0x119: {  	[sflag:s20] =	ssyncadd.s32 $0xFFFFFF80  }
0x11a: {  	[tilespmem:s16], [sflag:$0x6] =	stream.indirect.gather [hbm4b:s1+s9], $0x80, s13, s9, $0xb8;
	[tilespmem:$0x1C400] =	vst v63  }
0x11b: {  	_ =	swait.ge [sflag:s17], $0x4000  }
0x11c: {  	[sflag:s17] =	ssyncset.done $0x0  }
0x11d: {  	[sflag:s17] =	ssyncadd.s32 $0xFFFFC000  }
0x11e: {  	[spmem:s3] =	stream.indirect.scatter.add.f32 [tilespmem:s31], [sflag:$0x7], $0x80, s10, s9, $0xb8;
	[tilespmem:$0x1C400] =	vst v63  }
0x11f: {  	_ =	swait.ge [sflag:s0], $0x4000  }
0x120: {  	[sflag:s0] =	ssyncset.done $0x0  }
0x121: {  	s24 =	rddreg [dreg:$0x12];
	[sflag:s0] =	ssyncadd.s32 $0xFFFFC000  }
0x122: {  	[tilespmem:s10], [sflag:$0x3] =	stream.linear.gather [hbm4b:s24+s5], $0x80, $0x38;
	[tilespmem:$0x1C400] =	vst v63  }
0x123: {  	s25 =	rddreg [dreg:$0x13]  }
0x124: {  	[tilespmem:s11], [sflag:$0x3] =	stream.linear.gather [hbm4b:s25+s5], $0x80, $0x38;
	[tilespmem:$0x1C400] =	vst v63  }
0x125: {  	_ =	swait.ge [sflag:s14], $0x80  }
0x126: {  	[sflag:s14] =	ssyncset.done $0x0  }
0x127: {  	[sflag:s14] =	ssyncadd.s32 $0xFFFFFF80  }
0x128: {  	_ =	swait.ge [sflag:s14], $0x80  }
0x129: {  	[sflag:s14] =	ssyncset.done $0x0  }
0x12a: {  	[sflag:s14] =	ssyncadd.s32 $0xFFFFFF80  }
0x12b: {  	[tilespmem:s31], [sflag:$0x5] =	stream.indirect.gather [hbm4b:s1+s9], $0x80, s5, s9, $0xb8;
	[tilespmem:$0x1C400] =	vst v63  }
0x12c: {  	_ =	swait.ge [sflag:s19], $0x4000  }
0x12d: {  	[sflag:s19] =	ssyncset.done $0x0  }
0x12e: {  	[sflag:s19] =	ssyncadd.s32 $0xFFFFC000  }
0x12f: {  	[spmem:s3] =	stream.indirect.scatter.add.f32 [tilespmem:s16], [sflag:$0x7], $0x80, s12, s9, $0xb8;
	[tilespmem:$0x1C400] =	vst v63  }
0x130: {  	_ =	swait.ge [sflag:s0], $0x4000  }
0x131: {  	[sflag:s0] =	ssyncset.done $0x0  }
0x132: {  	s26 =	rddreg [dreg:$0x14];
	[sflag:s0] =	ssyncadd.s32 $0xFFFFC000  }
0x133: {  	[tilespmem:s12], [sflag:$0x4] =	stream.linear.gather [hbm4b:s26+s5], $0x80, $0x38;
	[tilespmem:$0x1C400] =	vst v63  }
0x134: {  	s28 =	rddreg [dreg:$0x15]  }
0x135: {  	[tilespmem:s13], [sflag:$0x4] =	stream.linear.gather [hbm4b:s28+s5], $0x80, $0x38;
	[tilespmem:$0x1C400] =	vst v63  }
0x136: {  	_ =	swait.ge [sflag:s15], $0x80  }
0x137: {  	[sflag:s15] =	ssyncset.done $0x0  }
0x138: {  	[sflag:s15] =	ssyncadd.s32 $0xFFFFFF80  }
0x139: {  	_ =	swait.ge [sflag:s15], $0x80  }
0x13a: {  	[sflag:s15] =	ssyncset.done $0x0  }
0x13b: {  	[sflag:s15] =	ssyncadd.s32 $0xFFFFFF80  }
0x13c: {  	[tilespmem:s16], [sflag:$0x6] =	stream.indirect.gather [hbm4b:s1+s9], $0x80, s9, s9, $0xb8;
	[tilespmem:$0x1C400] =	vst v63  }
0x13d: {  	_ =	swait.ge [sflag:s17], $0x4000  }
0x13e: {  	[sflag:s17] =	ssyncset.done $0x0  }
0x13f: {  	[sflag:s17] =	ssyncadd.s32 $0xFFFFC000  }
0x140: {  	[spmem:s3] =	stream.indirect.scatter.add.f32 [tilespmem:s31], [sflag:$0x7], $0x80, s4, s9, $0xb8;
	[tilespmem:$0x1C400] =	vst v63  }
0x141: {  	_ =	swait.ge [sflag:s0], $0x4000  }
0x142: {  	[sflag:s0] =	ssyncset.done $0x0  }
0x143: {  	[sflag:s0] =	ssyncadd.s32 $0xFFFFC000  }
0x144: {  	_ =	swait.ge [sflag:s18], $0x80  }
0x145: {  	[sflag:s18] =	ssyncset.done $0x0  }
0x146: {  	[sflag:s18] =	ssyncadd.s32 $0xFFFFFF80  }
0x147: {  	_ =	swait.ge [sflag:s18], $0x80  }
0x148: {  	[sflag:s18] =	ssyncset.done $0x0  }
0x149: {  	[sflag:s18] =	ssyncadd.s32 $0xFFFFFF80  }
0x14a: {  	[tilespmem:s31], [sflag:$0x5] =	stream.indirect.gather [hbm4b:s1+s9], $0x80, s11, s9, $0xb8;
	[tilespmem:$0x1C400] =	vst v63  }
0x14b: {  	_ =	swait.ge [sflag:s19], $0x4000  }
0x14c: {  	[sflag:s19] =	ssyncset.done $0x0  }
0x14d: {  	[sflag:s19] =	ssyncadd.s32 $0xFFFFC000  }
0x14e: {  	[spmem:s3] =	stream.indirect.scatter.add.f32 [tilespmem:s16], [sflag:$0x7], $0x80, s8, s9, $0xb8;
	[tilespmem:$0x1C400] =	vst v63  }
0x14f: {  	_ =	swait.ge [sflag:s0], $0x4000  }
0x150: {  	[sflag:s0] =	ssyncset.done $0x0  }
0x151: {  	[sflag:s0] =	ssyncadd.s32 $0xFFFFC000  }
0x152: {  	_ =	swait.ge [sflag:s20], $0x80  }
0x153: {  	[sflag:s20] =	ssyncset.done $0x0  }
0x154: {  	[sflag:s20] =	ssyncadd.s32 $0xFFFFFF80  }
0x155: {  	_ =	swait.ge [sflag:s20], $0x80  }
0x156: {  	[sflag:s20] =	ssyncset.done $0x0  }
0x157: {  	[sflag:s20] =	ssyncadd.s32 $0xFFFFFF80  }
0x158: {  	[tilespmem:s16], [sflag:$0x6] =	stream.indirect.gather [hbm4b:s1+s9], $0x80, s13, s9, $0xb8;
	[tilespmem:$0x1C400] =	vst v63  }
0x159: {  	_ =	swait.ge [sflag:s17], $0x4000  }
0x15a: {  	[sflag:s17] =	ssyncset.done $0x0  }
0x15b: {  	[sflag:s17] =	ssyncadd.s32 $0xFFFFC000  }
0x15c: {  	[spmem:s3] =	stream.indirect.scatter.add.f32 [tilespmem:s31], [sflag:$0x7], $0x80, s10, s9, $0xb8;
	[tilespmem:$0x1C400] =	vst v63  }
0x15d: {  	_ =	swait.ge [sflag:s0], $0x4000  }
0x15e: {  	[sflag:s0] =	ssyncset.done $0x0  }
0x15f: {  	[sflag:s0] =	ssyncadd.s32 $0xFFFFC000  }
0x160: {  	_ =	swait.ge [sflag:s19], $0x4000  }
0x161: {  	[sflag:s19] =	ssyncset.done $0x0  }
0x162: {  	[sflag:s19] =	ssyncadd.s32 $0xFFFFC000  }
0x163: {  	[spmem:s3] =	stream.indirect.scatter.add.f32 [tilespmem:s16], [sflag:$0x7], $0x80, s12, s9, $0xb8;
	[tilespmem:$0x1C400] =	vst v63  }
0x164: {  	_ =	swait.ge [sflag:s0], $0x4000  }
0x165: {  	[sflag:s0] =	ssyncset.done $0x0  }
0x166: {  	s29 =	stileid.u32;
	[sflag:s0] =	ssyncadd.s32 $0xFFFFC000  }
0x167: {  	s22 =	sshll.u32 s29, $0x6;
	[bflag:$0x0] =	sbarrier.arrive $0xFFFF  }
0x168: {  	s22 =	sor.u32 $0x1C07, s22;
	s23 =	sshrl.u32 s7, $0x3;
	s24 =	rddreg [dreg:$0x16]  }
0x169: {  	[hbm:s24], [sflag:s22] =	dma.local [spmem:s23], $0x2800  }
0x16a: {  	_ =	swait.ge [sflag:s0], $0x2800  }
0x16b: {  	s21 =	sadd.s32 $0x1, s21;
	s30 =	rddreg [dreg:$0x17]  }
0x16c: {  	p0 =	sne.s32 s21, s30  }
.Ltmp2:
0x16d: {  	_ = 	snop;
	(pc) =	sbr.rel @p0 .LBB2_1-.Ltmp2, $3  }
0x16e: {  	_ =	sdelay $0x1  }
0x16f: {  	[sflag:s0] =	ssyncset.done $0x0  }
0x170: {  	[sflag:s0] =	ssyncadd.s32 $0xFFFFD800  }
0x171: {  	_ =	sfence.sel $0x180000  }
0x172: {  	[bflag:$0x0] =	sbarrier.arrive $0xFFFF  }
0x173: {  	_ =	strace $0x90000047  }
0x174: {  	s0 =	stileid.u32;
	[bflag:$0x2] =	sbarrier.arrive $0xFFFF  }
0x175: {  	p0 =	sne.s32 s0, $0x0;
	s0 =	rddreg [dreg:$0x4]  }
0x176: {  	s0 =	sadd.s32 @!p0 $0x100000, s0  }
0x177: {  	[sflag:s0] =	ssyncadd.tile.s32 @!p0 $0x1;
	_ =	shalt  }
.Lfunc_end2:
_tile_overlayer_lowered:
.L_overlay_start_2:
0x178: {  	(tag) =	ssettag $0x2  }
0x179: {  	s0 =	rddreg [dreg:$0x0];
	s2 =	stileid.u32  }
0x17a: {  	s1 =	rddreg [dreg:$0x1];
	p0 =	sne.s32 s2, $0x0  }
0x17b: {  	s3 =	rddreg [dreg:$0x2];
	[bflag:$0x3] =	sbarrier.arrive $0xFFFF;
	s2 =	simm.s32 @!p0 $0x1C07  }
0x17c: {  	[timem:s3], [sflag:s2] =	dma.local @!p0 [hbm:s0], s1  }
0x17d: {  	s0 =	simm.s32 @!p0 $0x7  }
0x17e: {  	_ =	swait.ge @!p0 [sflag:s0], s1  }
0x17f: {  	s1 =	ssub.s32 @!p0 $0x0, s1;
	[sflag:s0] =	ssyncset.done @!p0 $0x0  }
0x180: {  	[sflag:s0] =	ssyncadd.s32 @!p0 s1  }
0x181: {  	[bflag:$0x3] =	sbarrier.arrive $0xFFFF  }
0x182: {  	_ =	shalt  }

</sc_bundles>
